<compile_context>
chip_gen: v7x
topology: tpu7x:2x2x1
jax: 0.10.2.dev20260603
libtpu: 0.0.44.dev20260713+nightly
codegen_flags: <defaults>
</compile_context>

<pallas_src>
import functools

import jax
import jax.numpy as jnp
from jax import lax
from jax.experimental import pallas as pl
from jax.experimental.pallas import tpu as pltpu
from jax.experimental.pallas import tpu_sc as plsc

N = 10000
E = 320000
D_IN = 128
D_HID = 128
D_OUT = 64

NC = 2
NS = 16
NW = NC * NS
EPW = E // NW
B = 80
CHUNKS = EPW // B
NPAD = 10240
RPT = NPAD // NS

_MESH = plsc.VectorSubcoreMesh(core_axis_name="c", subcore_axis_name="s")



SUP = 25
NSUP = CHUNKS // SUP


@functools.partial(
    pl.kernel,
    out_type=jax.ShapeDtypeStruct((NW, NPAD), jnp.float32),
    mesh=_MESH,
    scratch_types=[
        pltpu.VMEM((EPW,), jnp.int32),
        pltpu.VMEM((NPAD,), jnp.float32),
    ],
    compiler_params=pltpu.CompilerParams(needs_layout_passes=False),
)
def _deg_kernel(dst_hbm, zeros_hbm, out_hbm, didx, hist):
    c = lax.axis_index("c")
    s = lax.axis_index("s")
    w = c * NS + s
    base = pl.multiple_of(w * EPW, EPW)
    pltpu.sync_copy(dst_hbm.at[pl.ds(base, EPW)], didx)
    pltpu.sync_copy(zeros_hbm, hist)
    ones = jnp.ones((16,), jnp.float32)

    def body(j, carry):
        idx = didx[pl.ds(pl.multiple_of(j * 16, 16), 16)]
        plsc.addupdate_scatter(hist, [idx], ones)
        return carry

    lax.fori_loop(0, EPW // 16, body, 0)
    pltpu.sync_copy(hist, out_hbm.at[w])


def _make_agg(D):
    @functools.partial(
        pl.kernel,
        out_type=jax.ShapeDtypeStruct((NC, NPAD, D), jnp.float32),
        mesh=_MESH,
        scratch_types=[
            pltpu.VMEM((SUP, B), jnp.int32),
            pltpu.VMEM((SUP, B), jnp.int32),
            pltpu.VMEM((B, D), jnp.float32),
            pltpu.VMEM((B, D), jnp.float32),
            pltpu.VMEM_SHARED((NPAD, D), jnp.float32),
            pltpu.SemaphoreType.DMA,
            pltpu.SemaphoreType.DMA,
            pltpu.SemaphoreType.DMA,
            pltpu.SemaphoreType.DMA,
        ],
    )
    def agg(y_hbm, src4_hbm, dst4_hbm, zeros_hbm, out_hbm,
            sidx, didx, rows_a, rows_b, acc, g_a, g_b, s_a, s_b):
        c = lax.axis_index("c")
        s = lax.axis_index("s")
        w = c * NS + s
        r0 = s * RPT
        pltpu.sync_copy(zeros_hbm.at[pl.ds(r0, RPT)], acc.at[pl.ds(r0, RPT)])
        plsc.subcore_barrier()

        def fire_gather(i, rows, sem):
            pltpu.async_copy(y_hbm.at[sidx.at[i]], rows, sem)

        def drain_gather(rows, sem):
            pltpu.make_async_copy(y_hbm.at[pl.ds(0, B)], rows, sem).wait()

        def fire_scatter(i, rows, sem):
            pltpu.async_copy(rows, acc.at[didx.at[i]], sem, add=True)

        def drain_scatter(rows, sem):
            pltpu.make_async_copy(rows, acc.at[didx.at[0]], sem).wait()

        def super_body(u, carry):
            pltpu.sync_copy(src4_hbm.at[w, u], sidx)
            pltpu.sync_copy(dst4_hbm.at[w, u], didx)
            fire_gather(0, rows_a, g_a)

            def body(k, carry2):
                i0 = 2 * k
                drain_gather(rows_a, g_a)
                fire_gather(i0 + 1, rows_b, g_b)
                fire_scatter(i0, rows_a, s_a)
                drain_scatter(rows_a, s_a)
                fire_gather(i0 + 2, rows_a, g_a)
                drain_gather(rows_b, g_b)
                fire_scatter(i0 + 1, rows_b, s_b)
                drain_scatter(rows_b, s_b)
                return carry2

            lax.fori_loop(0, (SUP - 1) // 2, body, 0)
            drain_gather(rows_a, g_a)
            fire_scatter(SUP - 1, rows_a, s_a)
            drain_scatter(rows_a, s_a)
            return carry

        lax.fori_loop(0, NSUP, super_body, 0)
        plsc.subcore_barrier()
        pltpu.sync_copy(acc.at[pl.ds(r0, RPT)], out_hbm.at[c, pl.ds(r0, RPT)])

    return agg


_agg128 = _make_agg(D_HID)



_ROWS = 512
_GRID = (N + _ROWS - 1) // _ROWS


def _tc1_body(x_ref, w1_ref, degp_ref, y1_ref, dinv_ref):
    deg = jnp.sum(degp_ref[...], axis=0) + 1.0
    dinv = lax.rsqrt(deg)[:, None]
    dinv_ref[...] = jnp.broadcast_to(dinv, (_ROWS, 16))
    xw = jnp.dot(x_ref[...], w1_ref[...], preferred_element_type=jnp.float32)
    y1_ref[...] = xw * dinv


def _tc2_body(p_ref, y1_ref, dinv_ref, b1_ref, w2_ref, y2_ref):
    dinv = dinv_ref[:, 0:1]
    h = (p_ref[0] + p_ref[1] + y1_ref[...]) * dinv + b1_ref[...]
    h = jnp.maximum(h, 0.0)
    y2_ref[...] = jnp.dot(h, w2_ref[...], preferred_element_type=jnp.float32) * dinv


def _tc3_body(p_ref, y2_ref, dinv_ref, b2_ref, out_ref):
    dinv = dinv_ref[:, 0:1]
    acc = p_ref[0, :, :D_OUT] + p_ref[1, :, :D_OUT] + y2_ref[:, :D_OUT]
    out_ref[...] = acc * dinv + b2_ref[...]


def _row_spec(d):
    return pl.BlockSpec((_ROWS, d), lambda i: (i, 0))


def _part_spec(d):
    return pl.BlockSpec((NC, _ROWS, d), lambda i: (0, i, 0))


def _full_spec(r, d):
    return pl.BlockSpec((r, d), lambda i: (0, 0))



def kernel(x, edge_index, W1, b1, W2, b2):
    src = edge_index[0].astype(jnp.int32).reshape(NW, NSUP, SUP, B)
    dst = edge_index[1].astype(jnp.int32).reshape(NW, NSUP, SUP, B)
    dst1 = edge_index[1].astype(jnp.int32)
    zeros1 = jnp.zeros((NPAD,), jnp.float32)
    zeros128 = jnp.zeros((NPAD, D_HID), jnp.float32)
    W2p = jnp.concatenate([W2, jnp.zeros((D_HID, D_HID - D_OUT), jnp.float32)], axis=1)
    b1r = b1.reshape(1, D_HID)
    b2r = b2.reshape(1, D_OUT)

    degp = _deg_kernel(dst1, zeros1)

    y1, dinv = pl.pallas_call(
        _tc1_body,
        grid=(_GRID,),
        in_specs=[_row_spec(D_IN), _full_spec(D_IN, D_HID),
                  pl.BlockSpec((NW, _ROWS), lambda i: (0, i))],
        out_specs=[_row_spec(D_HID), _row_spec(16)],
        out_shape=[
            jax.ShapeDtypeStruct((N, D_HID), jnp.float32),
            jax.ShapeDtypeStruct((N, 16), jnp.float32),
        ],
    )(x, W1, degp)

    p1 = _agg128(y1, src, dst, zeros128)

    y2 = pl.pallas_call(
        _tc2_body,
        grid=(_GRID,),
        in_specs=[_part_spec(D_HID), _row_spec(D_HID), _row_spec(16),
                  _full_spec(1, D_HID), _full_spec(D_HID, D_HID)],
        out_specs=_row_spec(D_HID),
        out_shape=jax.ShapeDtypeStruct((N, D_HID), jnp.float32),
    )(p1, y1, dinv, b1r, W2p)

    p2 = _agg128(y2, src, dst, zeros128)

    out = pl.pallas_call(
        _tc3_body,
        grid=(_GRID,),
        in_specs=[_part_spec(D_HID), _row_spec(D_HID), _row_spec(16),
                  _full_spec(1, D_OUT)],
        out_specs=_row_spec(D_OUT),
        out_shape=jax.ShapeDtypeStruct((N, D_OUT), jnp.float32),
    )(p2, y2, dinv, b2r)

    return out

# --- scband reference (transcript-rebuilt; emitter-appended) ---
"""Pipeline reference for scband-gcn-28845000359944 (READ-ONLY COPY).

The authoritative reference and input builder live on the scoring server;
editing this copy changes nothing except your own understanding.
"""

import jax, jax.numpy as jnp
import numpy as np

N_NODES = 10000
N_EDGES = 320000
D_IN = 128
D_HID = 128
D_OUT = 64


def gcn_conv(x, edge_index, W, b):
    N = x.shape[0]
    src = edge_index[0]
    dst = edge_index[1]
    # add self loops (PyG GCNConv default add_self_loops=True)
    loop = jnp.arange(N, dtype=edge_index.dtype)
    src = jnp.concatenate([src, loop])
    dst = jnp.concatenate([dst, loop])
    # symmetric normalization with unit edge weights
    deg = jnp.zeros((N,), dtype=x.dtype).at[dst].add(1.0)
    deg_inv_sqrt = jnp.where(deg > 0, jax.lax.rsqrt(deg), 0.0)
    norm = deg_inv_sqrt[src] * deg_inv_sqrt[dst]
    xw = x @ W
    msgs = xw[src] * norm[:, None]
    out = jnp.zeros((N, W.shape[1]), dtype=x.dtype).at[dst].add(msgs)
    return out + b


def setup_inputs(seed: int = 0) -> dict:
    key = jax.random.key(seed)
    k_x, k_e, k_w1, k_w2 = jax.random.split(key, 4)
    x = jax.random.normal(k_x, (N_NODES, D_IN), dtype=jnp.float32)
    edge_index = jax.random.randint(k_e, (2, N_EDGES), 0, N_NODES, dtype=jnp.int64)
    # glorot-style init for GCNConv weights
    W1 = jax.random.normal(k_w1, (D_IN, D_HID), dtype=jnp.float32) * (1.0 / np.sqrt(D_IN))
    b1 = jnp.zeros((D_HID,), dtype=jnp.float32)
    W2 = jax.random.normal(k_w2, (D_HID, D_OUT), dtype=jnp.float32) * (1.0 / np.sqrt(D_HID))
    b2 = jnp.zeros((D_OUT,), dtype=jnp.float32)
    return {"x": x, "edge_index": edge_index, "W1": W1, "b1": b1, "W2": W2, "b2": b2}


def reference(x, edge_index, W1, b1, W2, b2):
    # GCN: GCNConv -> ReLU -> Dropout(eval: identity) -> GCNConv
    h = gcn_conv(x, edge_index, W1, b1)
    h = jax.nn.relu(h)
    # dropout p=0.5 is identity in eval mode
    out = gcn_conv(h, edge_index, W2, b2)
    return out

if __name__ == "__main__":
    import jax
    _d = setup_inputs()
    print(jax.jit(kernel)(*tuple(_d.values())))

</pallas_src>

<mosaic_0001>
#map = affine_map<(d0, d1) -> (0, 0)>
#map1 = affine_map<(d0, d1) -> (0, 0, 0, 0)>
#map2 = affine_map<(d0, d1) -> (0, 0, 0)>
module attributes {stable_mosaic.version = 14 : i64} {
  func.func @agg(%arg0: i32, %arg1: i32, %arg2: memref<10000x128xf32, #tpu.memory_space<hbm>>, %arg3: memref<32x5x25x80xi32, #tpu.memory_space<hbm>>, %arg4: memref<32x5x25x80xi32, #tpu.memory_space<hbm>>, %arg5: memref<10240x128xf32, #tpu.memory_space<hbm>>, %arg6: memref<2x10240x128xf32, #tpu.memory_space<hbm>>, %arg7: memref<25x80xi32, #tpu.memory_space<vmem>>, %arg8: memref<25x80xi32, #tpu.memory_space<vmem>>, %arg9: memref<80x128xf32, #tpu.memory_space<vmem>>, %arg10: memref<80x128xf32, #tpu.memory_space<vmem>>, %arg11: memref<10240x128xf32, #tpu.memory_space<vmem_shared>>, %arg12: memref<!tpu.dma_semaphore, #tpu.memory_space<semaphore_mem>>, %arg13: memref<!tpu.dma_semaphore, #tpu.memory_space<semaphore_mem>>, %arg14: memref<!tpu.dma_semaphore, #tpu.memory_space<semaphore_mem>>, %arg15: memref<!tpu.dma_semaphore, #tpu.memory_space<semaphore_mem>>) attributes {dimension_semantics = [#tpu.dimension_semantics<core_parallel>, #tpu.dimension_semantics<subcore_parallel>], iteration_bounds = array<i64: 2, 16>, scalar_prefetch = 0 : i64, scratch_operands = 9 : i64, tpu.core_type = #tpu.core_type<sc_vector_subcore>, window_params = [{transform_indices = #map}, {transform_indices = #map1}, {transform_indices = #map1}, {transform_indices = #map}, {transform_indices = #map2}]} {
    %mul3A = arith.constant 16 : i32
    %mul3A_0 = arith.muli %arg0, %mul3A : i32
    %add3A = arith.addi %mul3A_0, %arg1 : i32
    %mul3A_1 = arith.constant 640 : i32
    %mul3A_2 = arith.muli %arg1, %mul3A_1 : i32
    "tpu.region"() ({
      %run_scoped3A = tpu.sem_alloc : memref<!tpu.dma_semaphore, #tpu.memory_space<semaphore_mem>>
      %dma_start3A = arith.constant 0 : i32
      %dma_start3A_9 = tpu.memref_slice %arg11[%mul3A_2, %dma_start3A] : memref<10240x128xf32, #tpu.memory_space<vmem_shared>> -> memref<640x128xf32, #tpu.memory_space<vmem_shared>>
      %dma_start3A_10 = arith.constant 0 : i32
      %dma_start3A_11 = tpu.memref_slice %arg5[%mul3A_2, %dma_start3A_10] : memref<10240x128xf32, #tpu.memory_space<hbm>> -> memref<640x128xf32, #tpu.memory_space<hbm>>
      tpu.enqueue_dma source(%dma_start3A_11 : memref<640x128xf32, #tpu.memory_space<hbm>>) target(%dma_start3A_9 : memref<640x128xf32, #tpu.memory_space<vmem_shared>>) target_semaphore(%run_scoped3A : memref<!tpu.dma_semaphore, #tpu.memory_space<semaphore_mem>>)
      %dma_wait3A = arith.constant 0 : i32
      %dma_wait3A_12 = tpu.memref_slice %arg11[%mul3A_2, %dma_wait3A] : memref<10240x128xf32, #tpu.memory_space<vmem_shared>> -> memref<640x128xf32, #tpu.memory_space<vmem_shared>>
      %dma_wait3A_13 = arith.constant 0 : i32
      %dma_wait3A_14 = tpu.memref_slice %arg5[%mul3A_2, %dma_wait3A_13] : memref<10240x128xf32, #tpu.memory_space<hbm>> -> memref<640x128xf32, #tpu.memory_space<hbm>>
      tpu.wait_dma2 semaphore(%run_scoped3A : memref<!tpu.dma_semaphore, #tpu.memory_space<semaphore_mem>>) src(%dma_wait3A_14 : memref<640x128xf32, #tpu.memory_space<hbm>>) dst(%dma_wait3A_12 : memref<640x128xf32, #tpu.memory_space<vmem_shared>>)
      tpu.yield
    }) : () -> ()
    %barrier3A = arith.constant 0 : index
    tpu.barrier barrier_id(%barrier3A)
    %scan3A = arith.constant 0 : i32
    %scan3A_3 = arith.constant 0 : i32
    %scan3A_4 = arith.constant 5 : i32
    %scan3A_5 = arith.addi %scan3A_3, %scan3A_4 : i32
    %scan3A_6 = arith.constant 1 : i32
    scf.for %scan3A_9 = %scan3A_3 to %scan3A_5 step %scan3A_6  : i32 {
      "tpu.region"() ({
        %run_scoped3A = tpu.sem_alloc : memref<!tpu.dma_semaphore, #tpu.memory_space<semaphore_mem>>
        %dma_start3A_41 = arith.constant 0 : i32
        %dma_start3A_42 = arith.constant 0 : i32
        %dma_start3A_43 = tpu.memref_slice %arg3[%add3A, %scan3A_9, %dma_start3A_41, %dma_start3A_42] : memref<32x5x25x80xi32, #tpu.memory_space<hbm>> -> memref<1x1x25x80xi32, #tpu.memory_space<hbm>>
        %dma_start3A_44 = tpu.memref_squeeze %dma_start3A_43 : memref<1x1x25x80xi32, #tpu.memory_space<hbm>> -> memref<25x80xi32, #tpu.memory_space<hbm>>
        %dma_start3A_45 = arith.constant 0 : i32
        %dma_start3A_46 = arith.constant 0 : i32
        %dma_start3A_47 = tpu.memref_slice %arg3[%add3A, %scan3A_9, %dma_start3A_45, %dma_start3A_46] : memref<32x5x25x80xi32, #tpu.memory_space<hbm>> -> memref<1x1x25x80xi32, #tpu.memory_space<hbm>>
        %dma_start3A_48 = tpu.memref_squeeze %dma_start3A_47 : memref<1x1x25x80xi32, #tpu.memory_space<hbm>> -> memref<25x80xi32, #tpu.memory_space<hbm>>
        tpu.enqueue_dma source(%dma_start3A_48 : memref<25x80xi32, #tpu.memory_space<hbm>>) target(%arg7 : memref<25x80xi32, #tpu.memory_space<vmem>>) target_semaphore(%run_scoped3A : memref<!tpu.dma_semaphore, #tpu.memory_space<semaphore_mem>>)
        %dma_wait3A_49 = arith.constant 0 : i32
        %dma_wait3A_50 = arith.constant 0 : i32
        %dma_wait3A_51 = tpu.memref_slice %arg3[%add3A, %scan3A_9, %dma_wait3A_49, %dma_wait3A_50] : memref<32x5x25x80xi32, #tpu.memory_space<hbm>> -> memref<1x1x25x80xi32, #tpu.memory_space<hbm>>
        %dma_wait3A_52 = tpu.memref_squeeze %dma_wait3A_51 : memref<1x1x25x80xi32, #tpu.memory_space<hbm>> -> memref<25x80xi32, #tpu.memory_space<hbm>>
        %dma_wait3A_53 = arith.constant 0 : i32
        %dma_wait3A_54 = arith.constant 0 : i32
        %dma_wait3A_55 = tpu.memref_slice %arg3[%add3A, %scan3A_9, %dma_wait3A_53, %dma_wait3A_54] : memref<32x5x25x80xi32, #tpu.memory_space<hbm>> -> memref<1x1x25x80xi32, #tpu.memory_space<hbm>>
        %dma_wait3A_56 = tpu.memref_squeeze %dma_wait3A_55 : memref<1x1x25x80xi32, #tpu.memory_space<hbm>> -> memref<25x80xi32, #tpu.memory_space<hbm>>
        tpu.wait_dma2 semaphore(%run_scoped3A : memref<!tpu.dma_semaphore, #tpu.memory_space<semaphore_mem>>) src(%dma_wait3A_56 : memref<25x80xi32, #tpu.memory_space<hbm>>) dst(%arg7 : memref<25x80xi32, #tpu.memory_space<vmem>>)
        tpu.yield
      }) : () -> ()
      "tpu.region"() ({
        %run_scoped3A = tpu.sem_alloc : memref<!tpu.dma_semaphore, #tpu.memory_space<semaphore_mem>>
        %dma_start3A_41 = arith.constant 0 : i32
        %dma_start3A_42 = arith.constant 0 : i32
        %dma_start3A_43 = tpu.memref_slice %arg4[%add3A, %scan3A_9, %dma_start3A_41, %dma_start3A_42] : memref<32x5x25x80xi32, #tpu.memory_space<hbm>> -> memref<1x1x25x80xi32, #tpu.memory_space<hbm>>
        %dma_start3A_44 = tpu.memref_squeeze %dma_start3A_43 : memref<1x1x25x80xi32, #tpu.memory_space<hbm>> -> memref<25x80xi32, #tpu.memory_space<hbm>>
        %dma_start3A_45 = arith.constant 0 : i32
        %dma_start3A_46 = arith.constant 0 : i32
        %dma_start3A_47 = tpu.memref_slice %arg4[%add3A, %scan3A_9, %dma_start3A_45, %dma_start3A_46] : memref<32x5x25x80xi32, #tpu.memory_space<hbm>> -> memref<1x1x25x80xi32, #tpu.memory_space<hbm>>
        %dma_start3A_48 = tpu.memref_squeeze %dma_start3A_47 : memref<1x1x25x80xi32, #tpu.memory_space<hbm>> -> memref<25x80xi32, #tpu.memory_space<hbm>>
        tpu.enqueue_dma source(%dma_start3A_48 : memref<25x80xi32, #tpu.memory_space<hbm>>) target(%arg8 : memref<25x80xi32, #tpu.memory_space<vmem>>) target_semaphore(%run_scoped3A : memref<!tpu.dma_semaphore, #tpu.memory_space<semaphore_mem>>)
        %dma_wait3A_49 = arith.constant 0 : i32
        %dma_wait3A_50 = arith.constant 0 : i32
        %dma_wait3A_51 = tpu.memref_slice %arg4[%add3A, %scan3A_9, %dma_wait3A_49, %dma_wait3A_50] : memref<32x5x25x80xi32, #tpu.memory_space<hbm>> -> memref<1x1x25x80xi32, #tpu.memory_space<hbm>>
        %dma_wait3A_52 = tpu.memref_squeeze %dma_wait3A_51 : memref<1x1x25x80xi32, #tpu.memory_space<hbm>> -> memref<25x80xi32, #tpu.memory_space<hbm>>
        %dma_wait3A_53 = arith.constant 0 : i32
        %dma_wait3A_54 = arith.constant 0 : i32
        %dma_wait3A_55 = tpu.memref_slice %arg4[%add3A, %scan3A_9, %dma_wait3A_53, %dma_wait3A_54] : memref<32x5x25x80xi32, #tpu.memory_space<hbm>> -> memref<1x1x25x80xi32, #tpu.memory_space<hbm>>
        %dma_wait3A_56 = tpu.memref_squeeze %dma_wait3A_55 : memref<1x1x25x80xi32, #tpu.memory_space<hbm>> -> memref<25x80xi32, #tpu.memory_space<hbm>>
        tpu.wait_dma2 semaphore(%run_scoped3A : memref<!tpu.dma_semaphore, #tpu.memory_space<semaphore_mem>>) src(%dma_wait3A_56 : memref<25x80xi32, #tpu.memory_space<hbm>>) dst(%arg8 : memref<25x80xi32, #tpu.memory_space<vmem>>)
        tpu.yield
      }) : () -> ()
      %dma_start3A = arith.constant 0 : i32
      %dma_start3A_10 = arith.constant 0 : i32
      %dma_start3A_11 = tpu.memref_slice %arg7[%dma_start3A, %dma_start3A_10] : memref<25x80xi32, #tpu.memory_space<vmem>> -> memref<1x80xi32, #tpu.memory_space<vmem>>
      %dma_start3A_12 = tpu.memref_squeeze %dma_start3A_11 : memref<1x80xi32, #tpu.memory_space<vmem>> -> memref<80xi32, #tpu.memory_space<vmem>>
      %dma_start3A_13 = arith.constant 0 : i32
      %dma_start3A_14 = arith.constant 0 : i32
      %dma_start3A_15 = tpu.memref_slice %arg2[%dma_start3A_13, %dma_start3A_14] : memref<10000x128xf32, #tpu.memory_space<hbm>> -> memref<10000x128xf32, #tpu.memory_space<hbm>>
      tpu.enqueue_indirect_dma source(%dma_start3A_15 : memref<10000x128xf32, #tpu.memory_space<hbm>>) target(%arg9 : memref<80x128xf32, #tpu.memory_space<vmem>>) offsets(%dma_start3A_12 : memref<80xi32, #tpu.memory_space<vmem>>) semaphore(%arg12 : memref<!tpu.dma_semaphore, #tpu.memory_space<semaphore_mem>>)
      %scan3A_16 = arith.constant 0 : i32
      %scan3A_17 = arith.constant 0 : i32
      %scan3A_18 = arith.constant 12 : i32
      %scan3A_19 = arith.addi %scan3A_17, %scan3A_18 : i32
      %scan3A_20 = arith.constant 1 : i32
      scf.for %scan3A_41 = %scan3A_17 to %scan3A_19 step %scan3A_20  : i32 {
        %mul3A_42 = arith.constant 2 : i32
        %mul3A_43 = arith.muli %mul3A_42, %scan3A_41 : i32
        %dma_wait3A_44 = arith.constant 0 : i32
        %dma_wait3A_45 = arith.constant 0 : i32
        %dma_wait3A_46 = tpu.memref_slice %arg2[%dma_wait3A_44, %dma_wait3A_45] : memref<10000x128xf32, #tpu.memory_space<hbm>> -> memref<80x128xf32, #tpu.memory_space<hbm>>
        %dma_wait3A_47 = arith.constant 0 : i32
        %dma_wait3A_48 = arith.constant 0 : i32
        %dma_wait3A_49 = tpu.memref_slice %arg2[%dma_wait3A_47, %dma_wait3A_48] : memref<10000x128xf32, #tpu.memory_space<hbm>> -> memref<80x128xf32, #tpu.memory_space<hbm>>
        tpu.wait_dma2 semaphore(%arg12 : memref<!tpu.dma_semaphore, #tpu.memory_space<semaphore_mem>>) src(%dma_wait3A_49 : memref<80x128xf32, #tpu.memory_space<hbm>>) dst(%arg9 : memref<80x128xf32, #tpu.memory_space<vmem>>)
        %add3A_50 = arith.constant 1 : i32
        %add3A_51 = arith.addi %mul3A_43, %add3A_50 : i32
        %dma_start3A_52 = arith.constant 0 : i32
        %dma_start3A_53 = tpu.memref_slice %arg7[%add3A_51, %dma_start3A_52] : memref<25x80xi32, #tpu.memory_space<vmem>> -> memref<1x80xi32, #tpu.memory_space<vmem>>
        %dma_start3A_54 = tpu.memref_squeeze %dma_start3A_53 : memref<1x80xi32, #tpu.memory_space<vmem>> -> memref<80xi32, #tpu.memory_space<vmem>>
        %dma_start3A_55 = arith.constant 0 : i32
        %dma_start3A_56 = arith.constant 0 : i32
        %dma_start3A_57 = tpu.memref_slice %arg2[%dma_start3A_55, %dma_start3A_56] : memref<10000x128xf32, #tpu.memory_space<hbm>> -> memref<10000x128xf32, #tpu.memory_space<hbm>>
        tpu.enqueue_indirect_dma source(%dma_start3A_57 : memref<10000x128xf32, #tpu.memory_space<hbm>>) target(%arg10 : memref<80x128xf32, #tpu.memory_space<vmem>>) offsets(%dma_start3A_54 : memref<80xi32, #tpu.memory_space<vmem>>) semaphore(%arg13 : memref<!tpu.dma_semaphore, #tpu.memory_space<semaphore_mem>>)
        %dma_start3A_58 = arith.constant 0 : i32
        %dma_start3A_59 = tpu.memref_slice %arg8[%mul3A_43, %dma_start3A_58] : memref<25x80xi32, #tpu.memory_space<vmem>> -> memref<1x80xi32, #tpu.memory_space<vmem>>
        %dma_start3A_60 = tpu.memref_squeeze %dma_start3A_59 : memref<1x80xi32, #tpu.memory_space<vmem>> -> memref<80xi32, #tpu.memory_space<vmem>>
        %dma_start3A_61 = arith.constant 0 : i32
        %dma_start3A_62 = arith.constant 0 : i32
        %dma_start3A_63 = tpu.memref_slice %arg11[%dma_start3A_61, %dma_start3A_62] : memref<10240x128xf32, #tpu.memory_space<vmem_shared>> -> memref<10240x128xf32, #tpu.memory_space<vmem_shared>>
        tpu.enqueue_indirect_dma source(%arg9 : memref<80x128xf32, #tpu.memory_space<vmem>>) target(%dma_start3A_63 : memref<10240x128xf32, #tpu.memory_space<vmem_shared>>) offsets(%dma_start3A_60 : memref<80xi32, #tpu.memory_space<vmem>>) semaphore(%arg14 : memref<!tpu.dma_semaphore, #tpu.memory_space<semaphore_mem>>) {add = true}
        %dma_wait3A_64 = arith.constant 0 : i32
        %dma_wait3A_65 = arith.constant 0 : i32
        %dma_wait3A_66 = tpu.memref_slice %arg8[%dma_wait3A_64, %dma_wait3A_65] : memref<25x80xi32, #tpu.memory_space<vmem>> -> memref<1x80xi32, #tpu.memory_space<vmem>>
        %dma_wait3A_67 = tpu.memref_squeeze %dma_wait3A_66 : memref<1x80xi32, #tpu.memory_space<vmem>> -> memref<80xi32, #tpu.memory_space<vmem>>
        %dma_wait3A_68 = arith.constant 0 : i32
        %dma_wait3A_69 = arith.constant 0 : i32
        %dma_wait3A_70 = tpu.memref_slice %arg11[%dma_wait3A_68, %dma_wait3A_69] : memref<10240x128xf32, #tpu.memory_space<vmem_shared>> -> memref<10240x128xf32, #tpu.memory_space<vmem_shared>>
        tpu.wait_indirect_dma semaphore(%arg14 : memref<!tpu.dma_semaphore, #tpu.memory_space<semaphore_mem>>) src(%arg9 : memref<80x128xf32, #tpu.memory_space<vmem>>) dst(%dma_wait3A_70 : memref<10240x128xf32, #tpu.memory_space<vmem_shared>>)
        %add3A_71 = arith.constant 2 : i32
        %add3A_72 = arith.addi %mul3A_43, %add3A_71 : i32
        %dma_start3A_73 = arith.constant 0 : i32
        %dma_start3A_74 = tpu.memref_slice %arg7[%add3A_72, %dma_start3A_73] : memref<25x80xi32, #tpu.memory_space<vmem>> -> memref<1x80xi32, #tpu.memory_space<vmem>>
        %dma_start3A_75 = tpu.memref_squeeze %dma_start3A_74 : memref<1x80xi32, #tpu.memory_space<vmem>> -> memref<80xi32, #tpu.memory_space<vmem>>
        %dma_start3A_76 = arith.constant 0 : i32
        %dma_start3A_77 = arith.constant 0 : i32
        %dma_start3A_78 = tpu.memref_slice %arg2[%dma_start3A_76, %dma_start3A_77] : memref<10000x128xf32, #tpu.memory_space<hbm>> -> memref<10000x128xf32, #tpu.memory_space<hbm>>
        tpu.enqueue_indirect_dma source(%dma_start3A_78 : memref<10000x128xf32, #tpu.memory_space<hbm>>) target(%arg9 : memref<80x128xf32, #tpu.memory_space<vmem>>) offsets(%dma_start3A_75 : memref<80xi32, #tpu.memory_space<vmem>>) semaphore(%arg12 : memref<!tpu.dma_semaphore, #tpu.memory_space<semaphore_mem>>)
        %dma_wait3A_79 = arith.constant 0 : i32
        %dma_wait3A_80 = arith.constant 0 : i32
        %dma_wait3A_81 = tpu.memref_slice %arg2[%dma_wait3A_79, %dma_wait3A_80] : memref<10000x128xf32, #tpu.memory_space<hbm>> -> memref<80x128xf32, #tpu.memory_space<hbm>>
        %dma_wait3A_82 = arith.constant 0 : i32
        %dma_wait3A_83 = arith.constant 0 : i32
        %dma_wait3A_84 = tpu.memref_slice %arg2[%dma_wait3A_82, %dma_wait3A_83] : memref<10000x128xf32, #tpu.memory_space<hbm>> -> memref<80x128xf32, #tpu.memory_space<hbm>>
        tpu.wait_dma2 semaphore(%arg13 : memref<!tpu.dma_semaphore, #tpu.memory_space<semaphore_mem>>) src(%dma_wait3A_84 : memref<80x128xf32, #tpu.memory_space<hbm>>) dst(%arg10 : memref<80x128xf32, #tpu.memory_space<vmem>>)
        %add3A_85 = arith.constant 1 : i32
        %add3A_86 = arith.addi %mul3A_43, %add3A_85 : i32
        %dma_start3A_87 = arith.constant 0 : i32
        %dma_start3A_88 = tpu.memref_slice %arg8[%add3A_86, %dma_start3A_87] : memref<25x80xi32, #tpu.memory_space<vmem>> -> memref<1x80xi32, #tpu.memory_space<vmem>>
        %dma_start3A_89 = tpu.memref_squeeze %dma_start3A_88 : memref<1x80xi32, #tpu.memory_space<vmem>> -> memref<80xi32, #tpu.memory_space<vmem>>
        %dma_start3A_90 = arith.constant 0 : i32
        %dma_start3A_91 = arith.constant 0 : i32
        %dma_start3A_92 = tpu.memref_slice %arg11[%dma_start3A_90, %dma_start3A_91] : memref<10240x128xf32, #tpu.memory_space<vmem_shared>> -> memref<10240x128xf32, #tpu.memory_space<vmem_shared>>
        tpu.enqueue_indirect_dma source(%arg10 : memref<80x128xf32, #tpu.memory_space<vmem>>) target(%dma_start3A_92 : memref<10240x128xf32, #tpu.memory_space<vmem_shared>>) offsets(%dma_start3A_89 : memref<80xi32, #tpu.memory_space<vmem>>) semaphore(%arg15 : memref<!tpu.dma_semaphore, #tpu.memory_space<semaphore_mem>>) {add = true}
        %dma_wait3A_93 = arith.constant 0 : i32
        %dma_wait3A_94 = arith.constant 0 : i32
        %dma_wait3A_95 = tpu.memref_slice %arg8[%dma_wait3A_93, %dma_wait3A_94] : memref<25x80xi32, #tpu.memory_space<vmem>> -> memref<1x80xi32, #tpu.memory_space<vmem>>
        %dma_wait3A_96 = tpu.memref_squeeze %dma_wait3A_95 : memref<1x80xi32, #tpu.memory_space<vmem>> -> memref<80xi32, #tpu.memory_space<vmem>>
        %dma_wait3A_97 = arith.constant 0 : i32
        %dma_wait3A_98 = arith.constant 0 : i32
        %dma_wait3A_99 = tpu.memref_slice %arg11[%dma_wait3A_97, %dma_wait3A_98] : memref<10240x128xf32, #tpu.memory_space<vmem_shared>> -> memref<10240x128xf32, #tpu.memory_space<vmem_shared>>
        tpu.wait_indirect_dma semaphore(%arg15 : memref<!tpu.dma_semaphore, #tpu.memory_space<semaphore_mem>>) src(%arg10 : memref<80x128xf32, #tpu.memory_space<vmem>>) dst(%dma_wait3A_99 : memref<10240x128xf32, #tpu.memory_space<vmem_shared>>)
      }
      %scan3A_21 = arith.constant 12 : i32
      %dma_wait3A = arith.constant 0 : i32
      %dma_wait3A_22 = arith.constant 0 : i32
      %dma_wait3A_23 = tpu.memref_slice %arg2[%dma_wait3A, %dma_wait3A_22] : memref<10000x128xf32, #tpu.memory_space<hbm>> -> memref<80x128xf32, #tpu.memory_space<hbm>>
      %dma_wait3A_24 = arith.constant 0 : i32
      %dma_wait3A_25 = arith.constant 0 : i32
      %dma_wait3A_26 = tpu.memref_slice %arg2[%dma_wait3A_24, %dma_wait3A_25] : memref<10000x128xf32, #tpu.memory_space<hbm>> -> memref<80x128xf32, #tpu.memory_space<hbm>>
      tpu.wait_dma2 semaphore(%arg12 : memref<!tpu.dma_semaphore, #tpu.memory_space<semaphore_mem>>) src(%dma_wait3A_26 : memref<80x128xf32, #tpu.memory_space<hbm>>) dst(%arg9 : memref<80x128xf32, #tpu.memory_space<vmem>>)
      %dma_start3A_27 = arith.constant 24 : i32
      %dma_start3A_28 = arith.constant 0 : i32
      %dma_start3A_29 = tpu.memref_slice %arg8[%dma_start3A_27, %dma_start3A_28] : memref<25x80xi32, #tpu.memory_space<vmem>> -> memref<1x80xi32, #tpu.memory_space<vmem>>
      %dma_start3A_30 = tpu.memref_squeeze %dma_start3A_29 : memref<1x80xi32, #tpu.memory_space<vmem>> -> memref<80xi32, #tpu.memory_space<vmem>>
      %dma_start3A_31 = arith.constant 0 : i32
      %dma_start3A_32 = arith.constant 0 : i32
      %dma_start3A_33 = tpu.memref_slice %arg11[%dma_start3A_31, %dma_start3A_32] : memref<10240x128xf32, #tpu.memory_space<vmem_shared>> -> memref<10240x128xf32, #tpu.memory_space<vmem_shared>>
      tpu.enqueue_indirect_dma source(%arg9 : memref<80x128xf32, #tpu.memory_space<vmem>>) target(%dma_start3A_33 : memref<10240x128xf32, #tpu.memory_space<vmem_shared>>) offsets(%dma_start3A_30 : memref<80xi32, #tpu.memory_space<vmem>>) semaphore(%arg14 : memref<!tpu.dma_semaphore, #tpu.memory_space<semaphore_mem>>) {add = true}
      %dma_wait3A_34 = arith.constant 0 : i32
      %dma_wait3A_35 = arith.constant 0 : i32
      %dma_wait3A_36 = tpu.memref_slice %arg8[%dma_wait3A_34, %dma_wait3A_35] : memref<25x80xi32, #tpu.memory_space<vmem>> -> memref<1x80xi32, #tpu.memory_space<vmem>>
      %dma_wait3A_37 = tpu.memref_squeeze %dma_wait3A_36 : memref<1x80xi32, #tpu.memory_space<vmem>> -> memref<80xi32, #tpu.memory_space<vmem>>
      %dma_wait3A_38 = arith.constant 0 : i32
      %dma_wait3A_39 = arith.constant 0 : i32
      %dma_wait3A_40 = tpu.memref_slice %arg11[%dma_wait3A_38, %dma_wait3A_39] : memref<10240x128xf32, #tpu.memory_space<vmem_shared>> -> memref<10240x128xf32, #tpu.memory_space<vmem_shared>>
      tpu.wait_indirect_dma semaphore(%arg14 : memref<!tpu.dma_semaphore, #tpu.memory_space<semaphore_mem>>) src(%arg9 : memref<80x128xf32, #tpu.memory_space<vmem>>) dst(%dma_wait3A_40 : memref<10240x128xf32, #tpu.memory_space<vmem_shared>>)
    }
    %scan3A_7 = arith.constant 5 : i32
    %barrier3A_8 = arith.constant 0 : index
    tpu.barrier barrier_id(%barrier3A_8)
    "tpu.region"() ({
      %run_scoped3A = tpu.sem_alloc : memref<!tpu.dma_semaphore, #tpu.memory_space<semaphore_mem>>
      %dma_start3A = arith.constant 0 : i32
      %dma_start3A_9 = tpu.memref_slice %arg6[%arg0, %mul3A_2, %dma_start3A] : memref<2x10240x128xf32, #tpu.memory_space<hbm>> -> memref<1x640x128xf32, #tpu.memory_space<hbm>>
      %dma_start3A_10 = tpu.memref_squeeze %dma_start3A_9 : memref<1x640x128xf32, #tpu.memory_space<hbm>> -> memref<640x128xf32, #tpu.memory_space<hbm>>
      %dma_start3A_11 = arith.constant 0 : i32
      %dma_start3A_12 = tpu.memref_slice %arg11[%mul3A_2, %dma_start3A_11] : memref<10240x128xf32, #tpu.memory_space<vmem_shared>> -> memref<640x128xf32, #tpu.memory_space<vmem_shared>>
      tpu.enqueue_dma source(%dma_start3A_12 : memref<640x128xf32, #tpu.memory_space<vmem_shared>>) target(%dma_start3A_10 : memref<640x128xf32, #tpu.memory_space<hbm>>) target_semaphore(%run_scoped3A : memref<!tpu.dma_semaphore, #tpu.memory_space<semaphore_mem>>)
      %dma_wait3A = arith.constant 0 : i32
      %dma_wait3A_13 = tpu.memref_slice %arg6[%arg0, %mul3A_2, %dma_wait3A] : memref<2x10240x128xf32, #tpu.memory_space<hbm>> -> memref<1x640x128xf32, #tpu.memory_space<hbm>>
      %dma_wait3A_14 = tpu.memref_squeeze %dma_wait3A_13 : memref<1x640x128xf32, #tpu.memory_space<hbm>> -> memref<640x128xf32, #tpu.memory_space<hbm>>
      %dma_wait3A_15 = arith.constant 0 : i32
      %dma_wait3A_16 = tpu.memref_slice %arg11[%mul3A_2, %dma_wait3A_15] : memref<10240x128xf32, #tpu.memory_space<vmem_shared>> -> memref<640x128xf32, #tpu.memory_space<vmem_shared>>
      tpu.wait_dma2 semaphore(%run_scoped3A : memref<!tpu.dma_semaphore, #tpu.memory_space<semaphore_mem>>) src(%dma_wait3A_16 : memref<640x128xf32, #tpu.memory_space<vmem_shared>>) dst(%dma_wait3A_14 : memref<640x128xf32, #tpu.memory_space<hbm>>)
      tpu.yield
    }) : () -> ()
    return
  }
}

#map = affine_map<(d0, d1) -> (0, 0)>
#map1 = affine_map<(d0, d1) -> (0, 0, 0, 0)>
#map2 = affine_map<(d0, d1) -> (0, 0, 0)>
module attributes {stable_mosaic.version = 14 : i64} {
  func.func @agg(%arg0: i32, %arg1: i32, %arg2: memref<10000x128xf32, #tpu.memory_space<hbm>>, %arg3: memref<32x5x25x80xi32, #tpu.memory_space<hbm>>, %arg4: memref<32x5x25x80xi32, #tpu.memory_space<hbm>>, %arg5: memref<10240x128xf32, #tpu.memory_space<hbm>>, %arg6: memref<2x10240x128xf32, #tpu.memory_space<hbm>>, %arg7: memref<25x80xi32, #tpu.memory_space<vmem>>, %arg8: memref<25x80xi32, #tpu.memory_space<vmem>>, %arg9: memref<80x128xf32, #tpu.memory_space<vmem>>, %arg10: memref<80x128xf32, #tpu.memory_space<vmem>>, %arg11: memref<10240x128xf32, #tpu.memory_space<vmem_shared>>, %arg12: memref<!tpu.dma_semaphore, #tpu.memory_space<semaphore_mem>>, %arg13: memref<!tpu.dma_semaphore, #tpu.memory_space<semaphore_mem>>, %arg14: memref<!tpu.dma_semaphore, #tpu.memory_space<semaphore_mem>>, %arg15: memref<!tpu.dma_semaphore, #tpu.memory_space<semaphore_mem>>) attributes {dimension_semantics = [#tpu.dimension_semantics<core_parallel>, #tpu.dimension_semantics<subcore_parallel>], iteration_bounds = array<i64: 2, 16>, scalar_prefetch = 0 : i64, scratch_operands = 9 : i64, tpu.core_type = #tpu.core_type<sc_vector_subcore>, window_params = [{transform_indices = #map}, {transform_indices = #map1}, {transform_indices = #map1}, {transform_indices = #map}, {transform_indices = #map2}]} {
    %mul3A = arith.constant 16 : i32
    %mul3A_0 = arith.muli %arg0, %mul3A : i32
    %add3A = arith.addi %mul3A_0, %arg1 : i32
    %mul3A_1 = arith.constant 640 : i32
    %mul3A_2 = arith.muli %arg1, %mul3A_1 : i32
    "tpu.region"() ({
      %run_scoped3A = tpu.sem_alloc : memref<!tpu.dma_semaphore, #tpu.memory_space<semaphore_mem>>
      %dma_start3A = arith.constant 0 : i32
      %dma_start3A_9 = tpu.memref_slice %arg11[%mul3A_2, %dma_start3A] : memref<10240x128xf32, #tpu.memory_space<vmem_shared>> -> memref<640x128xf32, #tpu.memory_space<vmem_shared>>
      %dma_start3A_10 = arith.constant 0 : i32
      %dma_start3A_11 = tpu.memref_slice %arg5[%mul3A_2, %dma_start3A_10] : memref<10240x128xf32, #tpu.memory_space<hbm>> -> memref<640x128xf32, #tpu.memory_space<hbm>>
      tpu.enqueue_dma source(%dma_start3A_11 : memref<640x128xf32, #tpu.memory_space<hbm>>) target(%dma_start3A_9 : memref<640x128xf32, #tpu.memory_space<vmem_shared>>) target_semaphore(%run_scoped3A : memref<!tpu.dma_semaphore, #tpu.memory_space<semaphore_mem>>)
      %dma_wait3A = arith.constant 0 : i32
      %dma_wait3A_12 = tpu.memref_slice %arg11[%mul3A_2, %dma_wait3A] : memref<10240x128xf32, #tpu.memory_space<vmem_shared>> -> memref<640x128xf32, #tpu.memory_space<vmem_shared>>
      %dma_wait3A_13 = arith.constant 0 : i32
      %dma_wait3A_14 = tpu.memref_slice %arg5[%mul3A_2, %dma_wait3A_13] : memref<10240x128xf32, #tpu.memory_space<hbm>> -> memref<640x128xf32, #tpu.memory_space<hbm>>
      tpu.wait_dma2 semaphore(%run_scoped3A : memref<!tpu.dma_semaphore, #tpu.memory_space<semaphore_mem>>) src(%dma_wait3A_14 : memref<640x128xf32, #tpu.memory_space<hbm>>) dst(%dma_wait3A_12 : memref<640x128xf32, #tpu.memory_space<vmem_shared>>)
      tpu.yield
    }) : () -> ()
    %barrier3A = arith.constant 0 : index
    tpu.barrier barrier_id(%barrier3A)
    %scan3A = arith.constant 0 : i32
    %scan3A_3 = arith.constant 0 : i32
    %scan3A_4 = arith.constant 5 : i32
    %scan3A_5 = arith.addi %scan3A_3, %scan3A_4 : i32
    %scan3A_6 = arith.constant 1 : i32
    scf.for %scan3A_9 = %scan3A_3 to %scan3A_5 step %scan3A_6  : i32 {
      "tpu.region"() ({
        %run_scoped3A = tpu.sem_alloc : memref<!tpu.dma_semaphore, #tpu.memory_space<semaphore_mem>>
        %dma_start3A_41 = arith.constant 0 : i32
        %dma_start3A_42 = arith.constant 0 : i32
        %dma_start3A_43 = tpu.memref_slice %arg3[%add3A, %scan3A_9, %dma_start3A_41, %dma_start3A_42] : memref<32x5x25x80xi32, #tpu.memory_space<hbm>> -> memref<1x1x25x80xi32, #tpu.memory_space<hbm>>
        %dma_start3A_44 = tpu.memref_squeeze %dma_start3A_43 : memref<1x1x25x80xi32, #tpu.memory_space<hbm>> -> memref<25x80xi32, #tpu.memory_space<hbm>>
        %dma_start3A_45 = arith.constant 0 : i32
        %dma_start3A_46 = arith.constant 0 : i32
        %dma_start3A_47 = tpu.memref_slice %arg3[%add3A, %scan3A_9, %dma_start3A_45, %dma_start3A_46] : memref<32x5x25x80xi32, #tpu.memory_space<hbm>> -> memref<1x1x25x80xi32, #tpu.memory_space<hbm>>
        %dma_start3A_48 = tpu.memref_squeeze %dma_start3A_47 : memref<1x1x25x80xi32, #tpu.memory_space<hbm>> -> memref<25x80xi32, #tpu.memory_space<hbm>>
        tpu.enqueue_dma source(%dma_start3A_48 : memref<25x80xi32, #tpu.memory_space<hbm>>) target(%arg7 : memref<25x80xi32, #tpu.memory_space<vmem>>) target_semaphore(%run_scoped3A : memref<!tpu.dma_semaphore, #tpu.memory_space<semaphore_mem>>)
        %dma_wait3A_49 = arith.constant 0 : i32
        %dma_wait3A_50 = arith.constant 0 : i32
        %dma_wait3A_51 = tpu.memref_slice %arg3[%add3A, %scan3A_9, %dma_wait3A_49, %dma_wait3A_50] : memref<32x5x25x80xi32, #tpu.memory_space<hbm>> -> memref<1x1x25x80xi32, #tpu.memory_space<hbm>>
        %dma_wait3A_52 = tpu.memref_squeeze %dma_wait3A_51 : memref<1x1x25x80xi32, #tpu.memory_space<hbm>> -> memref<25x80xi32, #tpu.memory_space<hbm>>
        %dma_wait3A_53 = arith.constant 0 : i32
        %dma_wait3A_54 = arith.constant 0 : i32
        %dma_wait3A_55 = tpu.memref_slice %arg3[%add3A, %scan3A_9, %dma_wait3A_53, %dma_wait3A_54] : memref<32x5x25x80xi32, #tpu.memory_space<hbm>> -> memref<1x1x25x80xi32, #tpu.memory_space<hbm>>
        %dma_wait3A_56 = tpu.memref_squeeze %dma_wait3A_55 : memref<1x1x25x80xi32, #tpu.memory_space<hbm>> -> memref<25x80xi32, #tpu.memory_space<hbm>>
        tpu.wait_dma2 semaphore(%run_scoped3A : memref<!tpu.dma_semaphore, #tpu.memory_space<semaphore_mem>>) src(%dma_wait3A_56 : memref<25x80xi32, #tpu.memory_space<hbm>>) dst(%arg7 : memref<25x80xi32, #tpu.memory_space<vmem>>)
        tpu.yield
      }) : () -> ()
      "tpu.region"() ({
        %run_scoped3A = tpu.sem_alloc : memref<!tpu.dma_semaphore, #tpu.memory_space<semaphore_mem>>
        %dma_start3A_41 = arith.constant 0 : i32
        %dma_start3A_42 = arith.constant 0 : i32
        %dma_start3A_43 = tpu.memref_slice %arg4[%add3A, %scan3A_9, %dma_start3A_41, %dma_start3A_42] : memref<32x5x25x80xi32, #tpu.memory_space<hbm>> -> memref<1x1x25x80xi32, #tpu.memory_space<hbm>>
        %dma_start3A_44 = tpu.memref_squeeze %dma_start3A_43 : memref<1x1x25x80xi32, #tpu.memory_space<hbm>> -> memref<25x80xi32, #tpu.memory_space<hbm>>
        %dma_start3A_45 = arith.constant 0 : i32
        %dma_start3A_46 = arith.constant 0 : i32
        %dma_start3A_47 = tpu.memref_slice %arg4[%add3A, %scan3A_9, %dma_start3A_45, %dma_start3A_46] : memref<32x5x25x80xi32, #tpu.memory_space<hbm>> -> memref<1x1x25x80xi32, #tpu.memory_space<hbm>>
        %dma_start3A_48 = tpu.memref_squeeze %dma_start3A_47 : memref<1x1x25x80xi32, #tpu.memory_space<hbm>> -> memref<25x80xi32, #tpu.memory_space<hbm>>
        tpu.enqueue_dma source(%dma_start3A_48 : memref<25x80xi32, #tpu.memory_space<hbm>>) target(%arg8 : memref<25x80xi32, #tpu.memory_space<vmem>>) target_semaphore(%run_scoped3A : memref<!tpu.dma_semaphore, #tpu.memory_space<semaphore_mem>>)
        %dma_wait3A_49 = arith.constant 0 : i32
        %dma_wait3A_50 = arith.constant 0 : i32
        %dma_wait3A_51 = tpu.memref_slice %arg4[%add3A, %scan3A_9, %dma_wait3A_49, %dma_wait3A_50] : memref<32x5x25x80xi32, #tpu.memory_space<hbm>> -> memref<1x1x25x80xi32, #tpu.memory_space<hbm>>
        %dma_wait3A_52 = tpu.memref_squeeze %dma_wait3A_51 : memref<1x1x25x80xi32, #tpu.memory_space<hbm>> -> memref<25x80xi32, #tpu.memory_space<hbm>>
        %dma_wait3A_53 = arith.constant 0 : i32
        %dma_wait3A_54 = arith.constant 0 : i32
        %dma_wait3A_55 = tpu.memref_slice %arg4[%add3A, %scan3A_9, %dma_wait3A_53, %dma_wait3A_54] : memref<32x5x25x80xi32, #tpu.memory_space<hbm>> -> memref<1x1x25x80xi32, #tpu.memory_space<hbm>>
        %dma_wait3A_56 = tpu.memref_squeeze %dma_wait3A_55 : memref<1x1x25x80xi32, #tpu.memory_space<hbm>> -> memref<25x80xi32, #tpu.memory_space<hbm>>
        tpu.wait_dma2 semaphore(%run_scoped3A : memref<!tpu.dma_semaphore, #tpu.memory_space<semaphore_mem>>) src(%dma_wait3A_56 : memref<25x80xi32, #tpu.memory_space<hbm>>) dst(%arg8 : memref<25x80xi32, #tpu.memory_space<vmem>>)
        tpu.yield
      }) : () -> ()
      %dma_start3A = arith.constant 0 : i32
      %dma_start3A_10 = arith.constant 0 : i32
      %dma_start3A_11 = tpu.memref_slice %arg7[%dma_start3A, %dma_start3A_10] : memref<25x80xi32, #tpu.memory_space<vmem>> -> memref<1x80xi32, #tpu.memory_space<vmem>>
      %dma_start3A_12 = tpu.memref_squeeze %dma_start3A_11 : memref<1x80xi32, #tpu.memory_space<vmem>> -> memref<80xi32, #tpu.memory_space<vmem>>
      %dma_start3A_13 = arith.constant 0 : i32
      %dma_start3A_14 = arith.constant 0 : i32
      %dma_start3A_15 = tpu.memref_slice %arg2[%dma_start3A_13, %dma_start3A_14] : memref<10000x128xf32, #tpu.memory_space<hbm>> -> memref<10000x128xf32, #tpu.memory_space<hbm>>
      tpu.enqueue_indirect_dma source(%dma_start3A_15 : memref<10000x128xf32, #tpu.memory_space<hbm>>) target(%arg9 : memref<80x128xf32, #tpu.memory_space<vmem>>) offsets(%dma_start3A_12 : memref<80xi32, #tpu.memory_space<vmem>>) semaphore(%arg12 : memref<!tpu.dma_semaphore, #tpu.memory_space<semaphore_mem>>)
      %scan3A_16 = arith.constant 0 : i32
      %scan3A_17 = arith.constant 0 : i32
      %scan3A_18 = arith.constant 12 : i32
      %scan3A_19 = arith.addi %scan3A_17, %scan3A_18 : i32
      %scan3A_20 = arith.constant 1 : i32
      scf.for %scan3A_41 = %scan3A_17 to %scan3A_19 step %scan3A_20  : i32 {
        %mul3A_42 = arith.constant 2 : i32
        %mul3A_43 = arith.muli %mul3A_42, %scan3A_41 : i32
        %dma_wait3A_44 = arith.constant 0 : i32
        %dma_wait3A_45 = arith.constant 0 : i32
        %dma_wait3A_46 = tpu.memref_slice %arg2[%dma_wait3A_44, %dma_wait3A_45] : memref<10000x128xf32, #tpu.memory_space<hbm>> -> memref<80x128xf32, #tpu.memory_space<hbm>>
        %dma_wait3A_47 = arith.constant 0 : i32
        %dma_wait3A_48 = arith.constant 0 : i32
        %dma_wait3A_49 = tpu.memref_slice %arg2[%dma_wait3A_47, %dma_wait3A_48] : memref<10000x128xf32, #tpu.memory_space<hbm>> -> memref<80x128xf32, #tpu.memory_space<hbm>>
        tpu.wait_dma2 semaphore(%arg12 : memref<!tpu.dma_semaphore, #tpu.memory_space<semaphore_mem>>) src(%dma_wait3A_49 : memref<80x128xf32, #tpu.memory_space<hbm>>) dst(%arg9 : memref<80x128xf32, #tpu.memory_space<vmem>>)
        %add3A_50 = arith.constant 1 : i32
        %add3A_51 = arith.addi %mul3A_43, %add3A_50 : i32
        %dma_start3A_52 = arith.constant 0 : i32
        %dma_start3A_53 = tpu.memref_slice %arg7[%add3A_51, %dma_start3A_52] : memref<25x80xi32, #tpu.memory_space<vmem>> -> memref<1x80xi32, #tpu.memory_space<vmem>>
        %dma_start3A_54 = tpu.memref_squeeze %dma_start3A_53 : memref<1x80xi32, #tpu.memory_space<vmem>> -> memref<80xi32, #tpu.memory_space<vmem>>
        %dma_start3A_55 = arith.constant 0 : i32
        %dma_start3A_56 = arith.constant 0 : i32
        %dma_start3A_57 = tpu.memref_slice %arg2[%dma_start3A_55, %dma_start3A_56] : memref<10000x128xf32, #tpu.memory_space<hbm>> -> memref<10000x128xf32, #tpu.memory_space<hbm>>
        tpu.enqueue_indirect_dma source(%dma_start3A_57 : memref<10000x128xf32, #tpu.memory_space<hbm>>) target(%arg10 : memref<80x128xf32, #tpu.memory_space<vmem>>) offsets(%dma_start3A_54 : memref<80xi32, #tpu.memory_space<vmem>>) semaphore(%arg13 : memref<!tpu.dma_semaphore, #tpu.memory_space<semaphore_mem>>)
        %dma_start3A_58 = arith.constant 0 : i32
        %dma_start3A_59 = tpu.memref_slice %arg8[%mul3A_43, %dma_start3A_58] : memref<25x80xi32, #tpu.memory_space<vmem>> -> memref<1x80xi32, #tpu.memory_space<vmem>>
        %dma_start3A_60 = tpu.memref_squeeze %dma_start3A_59 : memref<1x80xi32, #tpu.memory_space<vmem>> -> memref<80xi32, #tpu.memory_space<vmem>>
        %dma_start3A_61 = arith.constant 0 : i32
        %dma_start3A_62 = arith.constant 0 : i32
        %dma_start3A_63 = tpu.memref_slice %arg11[%dma_start3A_61, %dma_start3A_62] : memref<10240x128xf32, #tpu.memory_space<vmem_shared>> -> memref<10240x128xf32, #tpu.memory_space<vmem_shared>>
        tpu.enqueue_indirect_dma source(%arg9 : memref<80x128xf32, #tpu.memory_space<vmem>>) target(%dma_start3A_63 : memref<10240x128xf32, #tpu.memory_space<vmem_shared>>) offsets(%dma_start3A_60 : memref<80xi32, #tpu.memory_space<vmem>>) semaphore(%arg14 : memref<!tpu.dma_semaphore, #tpu.memory_space<semaphore_mem>>) {add = true}
        %dma_wait3A_64 = arith.constant 0 : i32
        %dma_wait3A_65 = arith.constant 0 : i32
        %dma_wait3A_66 = tpu.memref_slice %arg8[%dma_wait3A_64, %dma_wait3A_65] : memref<25x80xi32, #tpu.memory_space<vmem>> -> memref<1x80xi32, #tpu.memory_space<vmem>>
        %dma_wait3A_67 = tpu.memref_squeeze %dma_wait3A_66 : memref<1x80xi32, #tpu.memory_space<vmem>> -> memref<80xi32, #tpu.memory_space<vmem>>
        %dma_wait3A_68 = arith.constant 0 : i32
        %dma_wait3A_69 = arith.constant 0 : i32
        %dma_wait3A_70 = tpu.memref_slice %arg11[%dma_wait3A_68, %dma_wait3A_69] : memref<10240x128xf32, #tpu.memory_space<vmem_shared>> -> memref<10240x128xf32, #tpu.memory_space<vmem_shared>>
        tpu.wait_indirect_dma semaphore(%arg14 : memref<!tpu.dma_semaphore, #tpu.memory_space<semaphore_mem>>) src(%arg9 : memref<80x128xf32, #tpu.memory_space<vmem>>) dst(%dma_wait3A_70 : memref<10240x128xf32, #tpu.memory_space<vmem_shared>>)
        %add3A_71 = arith.constant 2 : i32
        %add3A_72 = arith.addi %mul3A_43, %add3A_71 : i32
        %dma_start3A_73 = arith.constant 0 : i32
        %dma_start3A_74 = tpu.memref_slice %arg7[%add3A_72, %dma_start3A_73] : memref<25x80xi32, #tpu.memory_space<vmem>> -> memref<1x80xi32, #tpu.memory_space<vmem>>
        %dma_start3A_75 = tpu.memref_squeeze %dma_start3A_74 : memref<1x80xi32, #tpu.memory_space<vmem>> -> memref<80xi32, #tpu.memory_space<vmem>>
        %dma_start3A_76 = arith.constant 0 : i32
        %dma_start3A_77 = arith.constant 0 : i32
        %dma_start3A_78 = tpu.memref_slice %arg2[%dma_start3A_76, %dma_start3A_77] : memref<10000x128xf32, #tpu.memory_space<hbm>> -> memref<10000x128xf32, #tpu.memory_space<hbm>>
        tpu.enqueue_indirect_dma source(%dma_start3A_78 : memref<10000x128xf32, #tpu.memory_space<hbm>>) target(%arg9 : memref<80x128xf32, #tpu.memory_space<vmem>>) offsets(%dma_start3A_75 : memref<80xi32, #tpu.memory_space<vmem>>) semaphore(%arg12 : memref<!tpu.dma_semaphore, #tpu.memory_space<semaphore_mem>>)
        %dma_wait3A_79 = arith.constant 0 : i32
        %dma_wait3A_80 = arith.constant 0 : i32
        %dma_wait3A_81 = tpu.memref_slice %arg2[%dma_wait3A_79, %dma_wait3A_80] : memref<10000x128xf32, #tpu.memory_space<hbm>> -> memref<80x128xf32, #tpu.memory_space<hbm>>
        %dma_wait3A_82 = arith.constant 0 : i32
        %dma_wait3A_83 = arith.constant 0 : i32
        %dma_wait3A_84 = tpu.memref_slice %arg2[%dma_wait3A_82, %dma_wait3A_83] : memref<10000x128xf32, #tpu.memory_space<hbm>> -> memref<80x128xf32, #tpu.memory_space<hbm>>
        tpu.wait_dma2 semaphore(%arg13 : memref<!tpu.dma_semaphore, #tpu.memory_space<semaphore_mem>>) src(%dma_wait3A_84 : memref<80x128xf32, #tpu.memory_space<hbm>>) dst(%arg10 : memref<80x128xf32, #tpu.memory_space<vmem>>)
        %add3A_85 = arith.constant 1 : i32
        %add3A_86 = arith.addi %mul3A_43, %add3A_85 : i32
        %dma_start3A_87 = arith.constant 0 : i32
        %dma_start3A_88 = tpu.memref_slice %arg8[%add3A_86, %dma_start3A_87] : memref<25x80xi32, #tpu.memory_space<vmem>> -> memref<1x80xi32, #tpu.memory_space<vmem>>
        %dma_start3A_89 = tpu.memref_squeeze %dma_start3A_88 : memref<1x80xi32, #tpu.memory_space<vmem>> -> memref<80xi32, #tpu.memory_space<vmem>>
        %dma_start3A_90 = arith.constant 0 : i32
        %dma_start3A_91 = arith.constant 0 : i32
        %dma_start3A_92 = tpu.memref_slice %arg11[%dma_start3A_90, %dma_start3A_91] : memref<10240x128xf32, #tpu.memory_space<vmem_shared>> -> memref<10240x128xf32, #tpu.memory_space<vmem_shared>>
        tpu.enqueue_indirect_dma source(%arg10 : memref<80x128xf32, #tpu.memory_space<vmem>>) target(%dma_start3A_92 : memref<10240x128xf32, #tpu.memory_space<vmem_shared>>) offsets(%dma_start3A_89 : memref<80xi32, #tpu.memory_space<vmem>>) semaphore(%arg15 : memref<!tpu.dma_semaphore, #tpu.memory_space<semaphore_mem>>) {add = true}
        %dma_wait3A_93 = arith.constant 0 : i32
        %dma_wait3A_94 = arith.constant 0 : i32
        %dma_wait3A_95 = tpu.memref_slice %arg8[%dma_wait3A_93, %dma_wait3A_94] : memref<25x80xi32, #tpu.memory_space<vmem>> -> memref<1x80xi32, #tpu.memory_space<vmem>>
        %dma_wait3A_96 = tpu.memref_squeeze %dma_wait3A_95 : memref<1x80xi32, #tpu.memory_space<vmem>> -> memref<80xi32, #tpu.memory_space<vmem>>
        %dma_wait3A_97 = arith.constant 0 : i32
        %dma_wait3A_98 = arith.constant 0 : i32
        %dma_wait3A_99 = tpu.memref_slice %arg11[%dma_wait3A_97, %dma_wait3A_98] : memref<10240x128xf32, #tpu.memory_space<vmem_shared>> -> memref<10240x128xf32, #tpu.memory_space<vmem_shared>>
        tpu.wait_indirect_dma semaphore(%arg15 : memref<!tpu.dma_semaphore, #tpu.memory_space<semaphore_mem>>) src(%arg10 : memref<80x128xf32, #tpu.memory_space<vmem>>) dst(%dma_wait3A_99 : memref<10240x128xf32, #tpu.memory_space<vmem_shared>>)
      }
      %scan3A_21 = arith.constant 12 : i32
      %dma_wait3A = arith.constant 0 : i32
      %dma_wait3A_22 = arith.constant 0 : i32
      %dma_wait3A_23 = tpu.memref_slice %arg2[%dma_wait3A, %dma_wait3A_22] : memref<10000x128xf32, #tpu.memory_space<hbm>> -> memref<80x128xf32, #tpu.memory_space<hbm>>
      %dma_wait3A_24 = arith.constant 0 : i32
      %dma_wait3A_25 = arith.constant 0 : i32
      %dma_wait3A_26 = tpu.memref_slice %arg2[%dma_wait3A_24, %dma_wait3A_25] : memref<10000x128xf32, #tpu.memory_space<hbm>> -> memref<80x128xf32, #tpu.memory_space<hbm>>
      tpu.wait_dma2 semaphore(%arg12 : memref<!tpu.dma_semaphore, #tpu.memory_space<semaphore_mem>>) src(%dma_wait3A_26 : memref<80x128xf32, #tpu.memory_space<hbm>>) dst(%arg9 : memref<80x128xf32, #tpu.memory_space<vmem>>)
      %dma_start3A_27 = arith.constant 24 : i32
      %dma_start3A_28 = arith.constant 0 : i32
      %dma_start3A_29 = tpu.memref_slice %arg8[%dma_start3A_27, %dma_start3A_28] : memref<25x80xi32, #tpu.memory_space<vmem>> -> memref<1x80xi32, #tpu.memory_space<vmem>>
      %dma_start3A_30 = tpu.memref_squeeze %dma_start3A_29 : memref<1x80xi32, #tpu.memory_space<vmem>> -> memref<80xi32, #tpu.memory_space<vmem>>
      %dma_start3A_31 = arith.constant 0 : i32
      %dma_start3A_32 = arith.constant 0 : i32
      %dma_start3A_33 = tpu.memref_slice %arg11[%dma_start3A_31, %dma_start3A_32] : memref<10240x128xf32, #tpu.memory_space<vmem_shared>> -> memref<10240x128xf32, #tpu.memory_space<vmem_shared>>
      tpu.enqueue_indirect_dma source(%arg9 : memref<80x128xf32, #tpu.memory_space<vmem>>) target(%dma_start3A_33 : memref<10240x128xf32, #tpu.memory_space<vmem_shared>>) offsets(%dma_start3A_30 : memref<80xi32, #tpu.memory_space<vmem>>) semaphore(%arg14 : memref<!tpu.dma_semaphore, #tpu.memory_space<semaphore_mem>>) {add = true}
      %dma_wait3A_34 = arith.constant 0 : i32
      %dma_wait3A_35 = arith.constant 0 : i32
      %dma_wait3A_36 = tpu.memref_slice %arg8[%dma_wait3A_34, %dma_wait3A_35] : memref<25x80xi32, #tpu.memory_space<vmem>> -> memref<1x80xi32, #tpu.memory_space<vmem>>
      %dma_wait3A_37 = tpu.memref_squeeze %dma_wait3A_36 : memref<1x80xi32, #tpu.memory_space<vmem>> -> memref<80xi32, #tpu.memory_space<vmem>>
      %dma_wait3A_38 = arith.constant 0 : i32
      %dma_wait3A_39 = arith.constant 0 : i32
      %dma_wait3A_40 = tpu.memref_slice %arg11[%dma_wait3A_38, %dma_wait3A_39] : memref<10240x128xf32, #tpu.memory_space<vmem_shared>> -> memref<10240x128xf32, #tpu.memory_space<vmem_shared>>
      tpu.wait_indirect_dma semaphore(%arg14 : memref<!tpu.dma_semaphore, #tpu.memory_space<semaphore_mem>>) src(%arg9 : memref<80x128xf32, #tpu.memory_space<vmem>>) dst(%dma_wait3A_40 : memref<10240x128xf32, #tpu.memory_space<vmem_shared>>)
    }
    %scan3A_7 = arith.constant 5 : i32
    %barrier3A_8 = arith.constant 0 : index
    tpu.barrier barrier_id(%barrier3A_8)
    "tpu.region"() ({
      %run_scoped3A = tpu.sem_alloc : memref<!tpu.dma_semaphore, #tpu.memory_space<semaphore_mem>>
      %dma_start3A = arith.constant 0 : i32
      %dma_start3A_9 = tpu.memref_slice %arg6[%arg0, %mul3A_2, %dma_start3A] : memref<2x10240x128xf32, #tpu.memory_space<hbm>> -> memref<1x640x128xf32, #tpu.memory_space<hbm>>
      %dma_start3A_10 = tpu.memref_squeeze %dma_start3A_9 : memref<1x640x128xf32, #tpu.memory_space<hbm>> -> memref<640x128xf32, #tpu.memory_space<hbm>>
      %dma_start3A_11 = arith.constant 0 : i32
      %dma_start3A_12 = tpu.memref_slice %arg11[%mul3A_2, %dma_start3A_11] : memref<10240x128xf32, #tpu.memory_space<vmem_shared>> -> memref<640x128xf32, #tpu.memory_space<vmem_shared>>
      tpu.enqueue_dma source(%dma_start3A_12 : memref<640x128xf32, #tpu.memory_space<vmem_shared>>) target(%dma_start3A_10 : memref<640x128xf32, #tpu.memory_space<hbm>>) target_semaphore(%run_scoped3A : memref<!tpu.dma_semaphore, #tpu.memory_space<semaphore_mem>>)
      %dma_wait3A = arith.constant 0 : i32
      %dma_wait3A_13 = tpu.memref_slice %arg6[%arg0, %mul3A_2, %dma_wait3A] : memref<2x10240x128xf32, #tpu.memory_space<hbm>> -> memref<1x640x128xf32, #tpu.memory_space<hbm>>
      %dma_wait3A_14 = tpu.memref_squeeze %dma_wait3A_13 : memref<1x640x128xf32, #tpu.memory_space<hbm>> -> memref<640x128xf32, #tpu.memory_space<hbm>>
      %dma_wait3A_15 = arith.constant 0 : i32
      %dma_wait3A_16 = tpu.memref_slice %arg11[%mul3A_2, %dma_wait3A_15] : memref<10240x128xf32, #tpu.memory_space<vmem_shared>> -> memref<640x128xf32, #tpu.memory_space<vmem_shared>>
      tpu.wait_dma2 semaphore(%run_scoped3A : memref<!tpu.dma_semaphore, #tpu.memory_space<semaphore_mem>>) src(%dma_wait3A_16 : memref<640x128xf32, #tpu.memory_space<vmem_shared>>) dst(%dma_wait3A_14 : memref<640x128xf32, #tpu.memory_space<hbm>>)
      tpu.yield
    }) : () -> ()
    return
  }
}

#map = affine_map<(d0, d1) -> (0)>
#map1 = affine_map<(d0, d1) -> (0, 0)>
module attributes {stable_mosaic.version = 14 : i64} {
  func.func @_deg_kernel(%arg0: i32, %arg1: i32, %arg2: memref<320000xi32, #tpu.memory_space<hbm>>, %arg3: memref<10240xf32, #tpu.memory_space<hbm>>, %arg4: memref<32x10240xf32, #tpu.memory_space<hbm>>, %arg5: memref<10000xi32, #tpu.memory_space<vmem>>, %arg6: memref<10240xf32, #tpu.memory_space<vmem>>) attributes {dimension_semantics = [#tpu.dimension_semantics<core_parallel>, #tpu.dimension_semantics<subcore_parallel>], iteration_bounds = array<i64: 2, 16>, scalar_prefetch = 0 : i64, scratch_operands = 2 : i64, tpu.core_type = #tpu.core_type<sc_vector_subcore>, window_params = [{transform_indices = #map}, {transform_indices = #map}, {transform_indices = #map1}]} {
    %mul3A = arith.constant 16 : i32
    %mul3A_0 = arith.muli %arg0, %mul3A : i32
    %add3A = arith.addi %mul3A_0, %arg1 : i32
    %mul3A_1 = arith.constant 10000 : i32
    %mul3A_2 = arith.muli %add3A, %mul3A_1 : i32
    %multiple_of3A = tpu.assume_multiple %mul3A_2, 10000 : i32
    "tpu.region"() ({
      %run_scoped3A = tpu.sem_alloc : memref<!tpu.dma_semaphore, #tpu.memory_space<semaphore_mem>>
      %dma_start3A = tpu.memref_slice %arg2[%multiple_of3A] : memref<320000xi32, #tpu.memory_space<hbm>> -> memref<10000xi32, #tpu.memory_space<hbm>>
      %dma_start3A_9 = tpu.memref_slice %arg2[%multiple_of3A] : memref<320000xi32, #tpu.memory_space<hbm>> -> memref<10000xi32, #tpu.memory_space<hbm>>
      tpu.enqueue_dma source(%dma_start3A_9 : memref<10000xi32, #tpu.memory_space<hbm>>) target(%arg5 : memref<10000xi32, #tpu.memory_space<vmem>>) target_semaphore(%run_scoped3A : memref<!tpu.dma_semaphore, #tpu.memory_space<semaphore_mem>>)
      %dma_wait3A = tpu.memref_slice %arg2[%multiple_of3A] : memref<320000xi32, #tpu.memory_space<hbm>> -> memref<10000xi32, #tpu.memory_space<hbm>>
      %dma_wait3A_10 = tpu.memref_slice %arg2[%multiple_of3A] : memref<320000xi32, #tpu.memory_space<hbm>> -> memref<10000xi32, #tpu.memory_space<hbm>>
      tpu.wait_dma2 semaphore(%run_scoped3A : memref<!tpu.dma_semaphore, #tpu.memory_space<semaphore_mem>>) src(%dma_wait3A_10 : memref<10000xi32, #tpu.memory_space<hbm>>) dst(%arg5 : memref<10000xi32, #tpu.memory_space<vmem>>)
      tpu.yield
    }) : () -> ()
    "tpu.region"() ({
      %run_scoped3A = tpu.sem_alloc : memref<!tpu.dma_semaphore, #tpu.memory_space<semaphore_mem>>
      tpu.enqueue_dma source(%arg3 : memref<10240xf32, #tpu.memory_space<hbm>>) target(%arg6 : memref<10240xf32, #tpu.memory_space<vmem>>) target_semaphore(%run_scoped3A : memref<!tpu.dma_semaphore, #tpu.memory_space<semaphore_mem>>)
      tpu.wait_dma2 semaphore(%run_scoped3A : memref<!tpu.dma_semaphore, #tpu.memory_space<semaphore_mem>>) src(%arg3 : memref<10240xf32, #tpu.memory_space<hbm>>) dst(%arg6 : memref<10240xf32, #tpu.memory_space<vmem>>)
      tpu.yield
    }) : () -> ()
    %broadcast_in_dim3A = arith.constant 1.000000e+00 : f32
    %broadcast_in_dim3A_3 = vector.broadcast %broadcast_in_dim3A : f32 to vector<16xf32>
    %scan3A = arith.constant 0 : i32
    %scan3A_4 = arith.constant 0 : i32
    %scan3A_5 = arith.constant 625 : i32
    %scan3A_6 = arith.addi %scan3A_4, %scan3A_5 : i32
    %scan3A_7 = arith.constant 1 : i32
    scf.for %scan3A_9 = %scan3A_4 to %scan3A_6 step %scan3A_7  : i32 {
      %mul3A_10 = arith.constant 16 : i32
      %mul3A_11 = arith.muli %scan3A_9, %mul3A_10 : i32
      %multiple_of3A_12 = tpu.assume_multiple %mul3A_11, 16 : i32
      %get3A = arith.index_cast %multiple_of3A_12 : i32 to index
      %get3A_13 = tpu.vector_load %arg5[%get3A] {strides = array<i32>} : memref<10000xi32, #tpu.memory_space<vmem>>, vector<16xi32>,
      tpu.vector_store_idx %arg6[%get3A_13], %broadcast_in_dim3A_3 {add = true} : memref<10240xf32, #tpu.memory_space<vmem>>[vector<16xi32>], vector<16xf32>,
    }
    %scan3A_8 = arith.constant 625 : i32
    "tpu.region"() ({
      %run_scoped3A = tpu.sem_alloc : memref<!tpu.dma_semaphore, #tpu.memory_space<semaphore_mem>>
      %dma_start3A = arith.constant 0 : i32
      %dma_start3A_9 = tpu.memref_slice %arg4[%add3A, %dma_start3A] : memref<32x10240xf32, #tpu.memory_space<hbm>> -> memref<1x10240xf32, #tpu.memory_space<hbm>>
      %dma_start3A_10 = tpu.memref_squeeze %dma_start3A_9 : memref<1x10240xf32, #tpu.memory_space<hbm>> -> memref<10240xf32, #tpu.memory_space<hbm>>
      %dma_start3A_11 = arith.constant 0 : i32
      %dma_start3A_12 = tpu.memref_slice %arg4[%add3A, %dma_start3A_11] : memref<32x10240xf32, #tpu.memory_space<hbm>> -> memref<1x10240xf32, #tpu.memory_space<hbm>>
      %dma_start3A_13 = tpu.memref_squeeze %dma_start3A_12 : memref<1x10240xf32, #tpu.memory_space<hbm>> -> memref<10240xf32, #tpu.memory_space<hbm>>
      tpu.enqueue_dma source(%arg6 : memref<10240xf32, #tpu.memory_space<vmem>>) target(%dma_start3A_13 : memref<10240xf32, #tpu.memory_space<hbm>>) target_semaphore(%run_scoped3A : memref<!tpu.dma_semaphore, #tpu.memory_space<semaphore_mem>>)
      %dma_wait3A = arith.constant 0 : i32
      %dma_wait3A_14 = tpu.memref_slice %arg4[%add3A, %dma_wait3A] : memref<32x10240xf32, #tpu.memory_space<hbm>> -> memref<1x10240xf32, #tpu.memory_space<hbm>>
      %dma_wait3A_15 = tpu.memref_squeeze %dma_wait3A_14 : memref<1x10240xf32, #tpu.memory_space<hbm>> -> memref<10240xf32, #tpu.memory_space<hbm>>
      %dma_wait3A_16 = arith.constant 0 : i32
      %dma_wait3A_17 = tpu.memref_slice %arg4[%add3A, %dma_wait3A_16] : memref<32x10240xf32, #tpu.memory_space<hbm>> -> memref<1x10240xf32, #tpu.memory_space<hbm>>
      %dma_wait3A_18 = tpu.memref_squeeze %dma_wait3A_17 : memref<1x10240xf32, #tpu.memory_space<hbm>> -> memref<10240xf32, #tpu.memory_space<hbm>>
      tpu.wait_dma2 semaphore(%run_scoped3A : memref<!tpu.dma_semaphore, #tpu.memory_space<semaphore_mem>>) src(%arg6 : memref<10240xf32, #tpu.memory_space<vmem>>) dst(%dma_wait3A_18 : memref<10240xf32, #tpu.memory_space<hbm>>)
      tpu.yield
    }) : () -> ()
    return
  }
}

module attributes {stable_mosaic.version = 14 : i64} {
  func.func @_tc1_body(%arg0: i32, %arg1: memref<512x128xf32, #tpu.memory_space<vmem>>, %arg2: memref<128x128xf32, #tpu.memory_space<vmem>>, %arg3: memref<32x512xf32, #tpu.memory_space<vmem>>, %arg4: memref<512x128xf32, #tpu.memory_space<vmem>>, %arg5: memref<512x16xf32, #tpu.memory_space<vmem>>) attributes {dimension_semantics = [#tpu.dimension_semantics<arbitrary>], iteration_bounds = array<i64: 20>, scalar_prefetch = 0 : i64, scratch_operands = 0 : i64, tpu.core_type = #tpu.core_type<tc>, window_params = [{transform_indices = @transform_0, window_bounds = array<i64: 512, 128>}, {pipeline_mode = #tpu.pipeline_mode<synchronous>, transform_indices = @transform_1, window_bounds = array<i64: 128, 128>}, {transform_indices = @transform_2, window_bounds = array<i64: 32, 512>}, {transform_indices = @transform_3, window_bounds = array<i64: 512, 128>}, {transform_indices = @transform_4, window_bounds = array<i64: 512, 16>}]} {
    %get3A = arith.constant 0 : index
    %get3A_0 = arith.constant 0 : index
    %get3A_1 = vector.load %arg3[%get3A, %get3A_0] : memref<32x512xf32, #tpu.memory_space<vmem>>, vector<32x512xf32>
    %reduce_sum3A = arith.constant dense<0.000000e+00> : vector<512xf32>
    %reduce_sum3A_2 = vector.multi_reduction <add>, %get3A_1, %reduce_sum3A [0] : vector<32x512xf32> to vector<512xf32>
    %add3A = arith.constant 1.000000e+00 : f32
    %add3A_3 = vector.broadcast %add3A : f32 to vector<512xf32>
    %add3A_4 = arith.addf %reduce_sum3A_2, %add3A_3 : vector<512xf32>
    %rsqrt3A = math.rsqrt %add3A_4 : vector<512xf32>
    %broadcast_in_dim3A = vector.shape_cast %rsqrt3A : vector<512xf32> to vector<512x1xf32>
    %broadcast_in_dim3A_5 = vector.shape_cast %broadcast_in_dim3A : vector<512x1xf32> to vector<512x1xf32>
    %broadcast_in_dim3A_6 = vector.broadcast %broadcast_in_dim3A_5 : vector<512x1xf32> to vector<512x16xf32>
    %swap3A = arith.constant 0 : index
    %swap3A_7 = arith.constant 0 : index
    %swap3A_8 = vector.load %arg5[%swap3A, %swap3A_7] : memref<512x16xf32, #tpu.memory_space<vmem>>, vector<512x16xf32>
    tpu.vector_store %arg5[%swap3A, %swap3A_7], %broadcast_in_dim3A_6 {strides = array<i32>} : memref<512x16xf32, #tpu.memory_space<vmem>>, vector<512x16xf32>,
    %get3A_9 = arith.constant 0 : index
    %get3A_10 = arith.constant 0 : index
    %get3A_11 = vector.load %arg1[%get3A_9, %get3A_10] : memref<512x128xf32, #tpu.memory_space<vmem>>, vector<512x128xf32>
    %get3A_12 = arith.constant 0 : index
    %get3A_13 = arith.constant 0 : index
    %get3A_14 = vector.load %arg2[%get3A_12, %get3A_13] : memref<128x128xf32, #tpu.memory_space<vmem>>, vector<128x128xf32>
    %dot_general3A = arith.constant dense<0.000000e+00> : vector<512x128xf32>
    %dot_general3A_15 = tpu.matmul %get3A_11, %get3A_14, %dot_general3A {dimension_numbers = #tpu.dot_dimension_numbers<[1], [0], [0], [1], [0, 0, 1, 1], [], []>, transpose_lhs_hint = false} : vector<512x128xf32>, vector<128x128xf32>, vector<512x128xf32> -> vector<512x128xf32>
    %mul3A = vector.broadcast %broadcast_in_dim3A : vector<512x1xf32> to vector<512x128xf32>
    %mul3A_16 = arith.mulf %dot_general3A_15, %mul3A : vector<512x128xf32>
    %swap3A_17 = arith.constant 0 : index
    %swap3A_18 = arith.constant 0 : index
    %swap3A_19 = vector.load %arg4[%swap3A_17, %swap3A_18] : memref<512x128xf32, #tpu.memory_space<vmem>>, vector<512x128xf32>
    tpu.vector_store %arg4[%swap3A_17, %swap3A_18], %mul3A_16 {strides = array<i32>} : memref<512x128xf32, #tpu.memory_space<vmem>>, vector<512x128xf32>,
    return
  }
  func.func @transform_0(%arg0: i32) -> (i32, i32) {
    %c0_i32 = arith.constant 0 : i32
    %c0_i32_0 = arith.constant 0 : i32
    return %arg0, %c0_i32 : i32, i32
  }
  func.func @transform_1(%arg0: i32) -> (i32, i32) {
    %c0_i32 = arith.constant 0 : i32
    %c0_i32_0 = arith.constant 0 : i32
    %c0_i32_1 = arith.constant 0 : i32
    return %c0_i32, %c0_i32_0 : i32, i32
  }
  func.func @transform_2(%arg0: i32) -> (i32, i32) {
    %c0_i32 = arith.constant 0 : i32
    %c0_i32_0 = arith.constant 0 : i32
    return %c0_i32, %arg0 : i32, i32
  }
  func.func @transform_3(%arg0: i32) -> (i32, i32) {
    %c0_i32 = arith.constant 0 : i32
    %c0_i32_0 = arith.constant 0 : i32
    return %arg0, %c0_i32 : i32, i32
  }
  func.func @transform_4(%arg0: i32) -> (i32, i32) {
    %c0_i32 = arith.constant 0 : i32
    %c0_i32_0 = arith.constant 0 : i32
    return %arg0, %c0_i32 : i32, i32
  }
}

module attributes {stable_mosaic.version = 14 : i64} {
  func.func @_tc2_body(%arg0: i32, %arg1: memref<2x512x128xf32, #tpu.memory_space<vmem>>, %arg2: memref<512x128xf32, #tpu.memory_space<vmem>>, %arg3: memref<512x16xf32, #tpu.memory_space<vmem>>, %arg4: memref<1x128xf32, #tpu.memory_space<vmem>>, %arg5: memref<128x128xf32, #tpu.memory_space<vmem>>, %arg6: memref<512x128xf32, #tpu.memory_space<vmem>>) attributes {dimension_semantics = [#tpu.dimension_semantics<arbitrary>], iteration_bounds = array<i64: 20>, scalar_prefetch = 0 : i64, scratch_operands = 0 : i64, tpu.core_type = #tpu.core_type<tc>, window_params = [{transform_indices = @transform_0, window_bounds = array<i64: 2, 512, 128>}, {transform_indices = @transform_1, window_bounds = array<i64: 512, 128>}, {transform_indices = @transform_2, window_bounds = array<i64: 512, 16>}, {pipeline_mode = #tpu.pipeline_mode<synchronous>, transform_indices = @transform_3, window_bounds = array<i64: 1, 128>}, {pipeline_mode = #tpu.pipeline_mode<synchronous>, transform_indices = @transform_4, window_bounds = array<i64: 128, 128>}, {transform_indices = @transform_5, window_bounds = array<i64: 512, 128>}]} {
    %get3A = arith.constant 0 : index
    %get3A_0 = arith.constant 0 : index
    %get3A_1 = vector.load %arg3[%get3A, %get3A_0] : memref<512x16xf32, #tpu.memory_space<vmem>>, vector<512x1xf32>
    %get3A_2 = arith.constant 0 : index
    %get3A_3 = arith.constant 0 : index
    %get3A_4 = arith.constant 0 : index
    %get3A_5 = vector.load %arg1[%get3A_2, %get3A_3, %get3A_4] : memref<2x512x128xf32, #tpu.memory_space<vmem>>, vector<1x512x128xf32>
    %get3A_6 = vector.shape_cast %get3A_5 : vector<1x512x128xf32> to vector<512x128xf32>
    %get3A_7 = arith.constant 1 : index
    %get3A_8 = arith.constant 0 : index
    %get3A_9 = arith.constant 0 : index
    %get3A_10 = vector.load %arg1[%get3A_7, %get3A_8, %get3A_9] : memref<2x512x128xf32, #tpu.memory_space<vmem>>, vector<1x512x128xf32>
    %get3A_11 = vector.shape_cast %get3A_10 : vector<1x512x128xf32> to vector<512x128xf32>
    %add3A = arith.addf %get3A_6, %get3A_11 : vector<512x128xf32>
    %get3A_12 = arith.constant 0 : index
    %get3A_13 = arith.constant 0 : index
    %get3A_14 = vector.load %arg2[%get3A_12, %get3A_13] : memref<512x128xf32, #tpu.memory_space<vmem>>, vector<512x128xf32>
    %add3A_15 = arith.addf %add3A, %get3A_14 : vector<512x128xf32>
    %mul3A = vector.broadcast %get3A_1 : vector<512x1xf32> to vector<512x128xf32>
    %mul3A_16 = arith.mulf %add3A_15, %mul3A : vector<512x128xf32>
    %get3A_17 = arith.constant 0 : index
    %get3A_18 = arith.constant 0 : index
    %get3A_19 = vector.load %arg4[%get3A_17, %get3A_18] : memref<1x128xf32, #tpu.memory_space<vmem>>, vector<1x128xf32>
    %add3A_20 = vector.broadcast %get3A_19 : vector<1x128xf32> to vector<512x128xf32>
    %add3A_21 = arith.addf %mul3A_16, %add3A_20 : vector<512x128xf32>
    %max3A = arith.constant 0.000000e+00 : f32
    %max3A_22 = vector.broadcast %max3A : f32 to vector<512x128xf32>
    %max3A_23 = arith.maximumf %add3A_21, %max3A_22 : vector<512x128xf32>
    %get3A_24 = arith.constant 0 : index
    %get3A_25 = arith.constant 0 : index
    %get3A_26 = vector.load %arg5[%get3A_24, %get3A_25] : memref<128x128xf32, #tpu.memory_space<vmem>>, vector<128x128xf32>
    %dot_general3A = arith.constant dense<0.000000e+00> : vector<512x128xf32>
    %dot_general3A_27 = tpu.matmul %max3A_23, %get3A_26, %dot_general3A {dimension_numbers = #tpu.dot_dimension_numbers<[1], [0], [0], [1], [0, 0, 1, 1], [], []>, transpose_lhs_hint = false} : vector<512x128xf32>, vector<128x128xf32>, vector<512x128xf32> -> vector<512x128xf32>
    %mul3A_28 = vector.broadcast %get3A_1 : vector<512x1xf32> to vector<512x128xf32>
    %mul3A_29 = arith.mulf %dot_general3A_27, %mul3A_28 : vector<512x128xf32>
    %swap3A = arith.constant 0 : index
    %swap3A_30 = arith.constant 0 : index
    %swap3A_31 = vector.load %arg6[%swap3A, %swap3A_30] : memref<512x128xf32, #tpu.memory_space<vmem>>, vector<512x128xf32>
    tpu.vector_store %arg6[%swap3A, %swap3A_30], %mul3A_29 {strides = array<i32>} : memref<512x128xf32, #tpu.memory_space<vmem>>, vector<512x128xf32>,
    return
  }
  func.func @transform_0(%arg0: i32) -> (i32, i32, i32) {
    %c0_i32 = arith.constant 0 : i32
    %c0_i32_0 = arith.constant 0 : i32
    %c0_i32_1 = arith.constant 0 : i32
    return %c0_i32, %arg0, %c0_i32_0 : i32, i32, i32
  }
  func.func @transform_1(%arg0: i32) -> (i32, i32) {
    %c0_i32 = arith.constant 0 : i32
    %c0_i32_0 = arith.constant 0 : i32
    return %arg0, %c0_i32 : i32, i32
  }
  func.func @transform_2(%arg0: i32) -> (i32, i32) {
    %c0_i32 = arith.constant 0 : i32
    %c0_i32_0 = arith.constant 0 : i32
    return %arg0, %c0_i32 : i32, i32
  }
  func.func @transform_3(%arg0: i32) -> (i32, i32) {
    %c0_i32 = arith.constant 0 : i32
    %c0_i32_0 = arith.constant 0 : i32
    %c0_i32_1 = arith.constant 0 : i32
    return %c0_i32, %c0_i32_0 : i32, i32
  }
  func.func @transform_4(%arg0: i32) -> (i32, i32) {
    %c0_i32 = arith.constant 0 : i32
    %c0_i32_0 = arith.constant 0 : i32
    %c0_i32_1 = arith.constant 0 : i32
    return %c0_i32, %c0_i32_0 : i32, i32
  }
  func.func @transform_5(%arg0: i32) -> (i32, i32) {
    %c0_i32 = arith.constant 0 : i32
    %c0_i32_0 = arith.constant 0 : i32
    return %arg0, %c0_i32 : i32, i32
  }
}

module attributes {stable_mosaic.version = 14 : i64} {
  func.func @_tc3_body(%arg0: i32, %arg1: memref<2x512x128xf32, #tpu.memory_space<vmem>>, %arg2: memref<512x128xf32, #tpu.memory_space<vmem>>, %arg3: memref<512x16xf32, #tpu.memory_space<vmem>>, %arg4: memref<1x64xf32, #tpu.memory_space<vmem>>, %arg5: memref<512x64xf32, #tpu.memory_space<vmem>>) attributes {dimension_semantics = [#tpu.dimension_semantics<arbitrary>], iteration_bounds = array<i64: 20>, scalar_prefetch = 0 : i64, scratch_operands = 0 : i64, tpu.core_type = #tpu.core_type<tc>, window_params = [{transform_indices = @transform_0, window_bounds = array<i64: 2, 512, 128>}, {transform_indices = @transform_1, window_bounds = array<i64: 512, 128>}, {transform_indices = @transform_2, window_bounds = array<i64: 512, 16>}, {pipeline_mode = #tpu.pipeline_mode<synchronous>, transform_indices = @transform_3, window_bounds = array<i64: 1, 64>}, {transform_indices = @transform_4, window_bounds = array<i64: 512, 64>}]} {
    %get3A = arith.constant 0 : index
    %get3A_0 = arith.constant 0 : index
    %get3A_1 = vector.load %arg3[%get3A, %get3A_0] : memref<512x16xf32, #tpu.memory_space<vmem>>, vector<512x1xf32>
    %get3A_2 = arith.constant 0 : index
    %get3A_3 = arith.constant 0 : index
    %get3A_4 = arith.constant 0 : index
    %get3A_5 = vector.load %arg1[%get3A_2, %get3A_3, %get3A_4] : memref<2x512x128xf32, #tpu.memory_space<vmem>>, vector<1x512x64xf32>
    %get3A_6 = vector.shape_cast %get3A_5 : vector<1x512x64xf32> to vector<512x64xf32>
    %get3A_7 = arith.constant 1 : index
    %get3A_8 = arith.constant 0 : index
    %get3A_9 = arith.constant 0 : index
    %get3A_10 = vector.load %arg1[%get3A_7, %get3A_8, %get3A_9] : memref<2x512x128xf32, #tpu.memory_space<vmem>>, vector<1x512x64xf32>
    %get3A_11 = vector.shape_cast %get3A_10 : vector<1x512x64xf32> to vector<512x64xf32>
    %add3A = arith.addf %get3A_6, %get3A_11 : vector<512x64xf32>
    %get3A_12 = arith.constant 0 : index
    %get3A_13 = arith.constant 0 : index
    %get3A_14 = vector.load %arg2[%get3A_12, %get3A_13] : memref<512x128xf32, #tpu.memory_space<vmem>>, vector<512x64xf32>
    %add3A_15 = arith.addf %add3A, %get3A_14 : vector<512x64xf32>
    %mul3A = vector.broadcast %get3A_1 : vector<512x1xf32> to vector<512x64xf32>
    %mul3A_16 = arith.mulf %add3A_15, %mul3A : vector<512x64xf32>
    %get3A_17 = arith.constant 0 : index
    %get3A_18 = arith.constant 0 : index
    %get3A_19 = vector.load %arg4[%get3A_17, %get3A_18] : memref<1x64xf32, #tpu.memory_space<vmem>>, vector<1x64xf32>
    %add3A_20 = vector.broadcast %get3A_19 : vector<1x64xf32> to vector<512x64xf32>
    %add3A_21 = arith.addf %mul3A_16, %add3A_20 : vector<512x64xf32>
    %swap3A = arith.constant 0 : index
    %swap3A_22 = arith.constant 0 : index
    %swap3A_23 = vector.load %arg5[%swap3A, %swap3A_22] : memref<512x64xf32, #tpu.memory_space<vmem>>, vector<512x64xf32>
    tpu.vector_store %arg5[%swap3A, %swap3A_22], %add3A_21 {strides = array<i32>} : memref<512x64xf32, #tpu.memory_space<vmem>>, vector<512x64xf32>,
    return
  }
  func.func @transform_0(%arg0: i32) -> (i32, i32, i32) {
    %c0_i32 = arith.constant 0 : i32
    %c0_i32_0 = arith.constant 0 : i32
    %c0_i32_1 = arith.constant 0 : i32
    return %c0_i32, %arg0, %c0_i32_0 : i32, i32, i32
  }
  func.func @transform_1(%arg0: i32) -> (i32, i32) {
    %c0_i32 = arith.constant 0 : i32
    %c0_i32_0 = arith.constant 0 : i32
    return %arg0, %c0_i32 : i32, i32
  }
  func.func @transform_2(%arg0: i32) -> (i32, i32) {
    %c0_i32 = arith.constant 0 : i32
    %c0_i32_0 = arith.constant 0 : i32
    return %arg0, %c0_i32 : i32, i32
  }
  func.func @transform_3(%arg0: i32) -> (i32, i32) {
    %c0_i32 = arith.constant 0 : i32
    %c0_i32_0 = arith.constant 0 : i32
    %c0_i32_1 = arith.constant 0 : i32
    return %c0_i32, %c0_i32_0 : i32, i32
  }
  func.func @transform_4(%arg0: i32) -> (i32, i32) {
    %c0_i32 = arith.constant 0 : i32
    %c0_i32_0 = arith.constant 0 : i32
    return %arg0, %c0_i32 : i32, i32
  }
}

</mosaic_0001>

<sc_bundles>
// kernel: kernel.11.cloned.1.call-start
scs
__scs_entry_jumppad:
0x0: {  	(pc) =	sbr.rel $0x88, $3  }
0x1: {  	(tag) =	ssettag $0x0;
	lr =	simm.s32 $0x1  }
0x2: {  	[smem:$0x3F9B] =	sst lr;
	_ =	strace $0xD0000000  }
0x3: {  	_ = 	snop  }
0x4: {  	_ = 	snop  }
0x5: {  	_ = 	snop  }
0x6: {  	_ = 	snop  }
0x7: {  	_ = 	snop  }
__scs_overlays_trampoline_lowered:
0x8: {  	[smem:$0x3FAA] =	sst s0  }
0x9: {  	[smem:$0x3FAB] =	sst s1  }
0xa: {  	[smem:$0x3FAC] =	sst s2  }
0xb: {  	[smem:$0x3FAD] =	sst s3  }
0xc: {  	[smem:$0x3FAE] =	sst s4  }
0xd: {  	[smem:$0x3FAF] =	sst s5  }
0xe: {  	[smem:$0x3FB0] =	sst s6  }
0xf: {  	[smem:$0x3FB1] =	sst s7  }
0x10: {  	[smem:$0x3FB2] =	sst s8  }
0x11: {  	[smem:$0x3FB3] =	sst s9;
	s0 =	simm.s32 @!p0 $0x0  }
0x12: {  	s1 =	sld [smem:$0x3F99];
	s0 =	simm.s32 @p0 $0x1  }
0x13: {  	[smem:$0x3FB4] =	sst s0;
	s0 =	simm.s32 @!p1 $0x0  }
0x14: {  	s2 =	sld [smem:$0x3F98];
	s0 =	simm.s32 @p1 $0x1  }
0x15: {  	[smem:$0x3FB5] =	sst s0;
	s0 =	simm.s32 @!p2 $0x0  }
0x16: {  	s3 =	sld [smem:$0x3FDB];
	s0 =	simm.s32 @p2 $0x1  }
0x17: {  	s4 =	simm.s32 $0x1BF5;
	[smem:$0x3FB7] =	sst s0  }
0x18: {  	s0 =	sld [smem:$0x3F9A];
	_ =	swait.ge [sflag:s4], $0x0  }
0x19: {  	s7 =	sld [smem:$0x3F9B]  }
0x1a: {  	s8 =	sadd.s32 $0xFFFFE003, lr  }
0x1b: {  	s9 =	sadd.s32 $0xFFFFFEF7, lr;
	s5 =	simm.s32 $0xFFFFFFFF;
	p2 =	slt.u32 s8, $0xFFFFF086  }
0x1c: {  	p1 =	slt.u32 s9, $0xF7A;
	s5 =	simm.s32 @!p2 $0x0  }
0x1d: {  	s5 =	simm.s32 @p1 $0x1;
	p0 =	seq.s32 s7, s2  }
0x1e: {  	s7 =	smul.u32 @!p0 $0xF7A, s2;
	p2 =	seq.s32 @!p0 s5, $0x0  }
0x1f: {  	s9 =	smul.u32 $0xF7A, s1;
	s8 =	simm.s32 @!p0 $0x1BF5;
	p2 =	por !p2, p0  }
0x20: {  	[sflag:s8] =	ssyncset.s32 @!p0 $0xFFFFF086;
	s6 =	sadd.s32 @!p0 s3, s7;
	s7 =	simm.s32 @!p0 $0x108  }
0x21: {  	s3 =	sadd.s32 s3, s9;
	s6 =	sadd.s32 @!p0 $0x88, s6;
	s7 =	simm.s32 @p2 $0x1082  }
0x22: {  	[simem:s7], [sflag:s8] =	dma.local @!p0 [hbm:s6], $0xF7A  }
0x23: {  	s9 =	sor.u32 $0xD0000000, s2;
	s6 =	simm.s32 $0x108;
	_ =	swait.ge @!p0 [sflag:s8], $0x0  }
0x24: {  	s3 =	sadd.s32 $0x88, s3;
	s6 =	simm.s32 @!p1 $0x1082;
	[sflag:s4] =	ssyncset.s32 $0xFFFFF086  }
0x25: {  	[simem:s6], [sflag:s4] =	dma.local [hbm:s3], $0xF7A  }
0x26: {  	[smem:$0x3F9B] =	sst s1;
	(tag) =	ssettag s2;
	_ =	strace s9  }
0x27: {  	s1 =	sld [smem:$0x3FAB]  }
0x28: {  	s2 =	sld [smem:$0x3FAC]  }
0x29: {  	s4 =	sld [smem:$0x3FAE]  }
0x2a: {  	p0 =	seq.s32 s5, $0x0;
	s5 =	sld [smem:$0x3FAF]  }
0x2b: {  	s6 =	sld [smem:$0x3FB0]  }
0x2c: {  	s7 =	sld [smem:$0x3FB1]  }
0x2d: {  	s3 =	simm.s32 $0x108;
	s8 =	sld [smem:$0x3FB2]  }
0x2e: {  	s3 =	simm.s32 @!p0 $0x1082;
	s9 =	sld [smem:$0x3FB3]  }
0x2f: {  	lr =	sadd.s32 s0, s3;
	s0 =	sld [smem:$0x3FAA]  }
0x30: {  	s3 =	sld [smem:$0x3FAD]  }
0x31: {  	[smem:$0x3FB6] =	sst s10  }
0x32: {  	s10 =	sld [smem:$0x3FB4];
	_ =	sdelay $0x3  }
0x33: {  	p0 =	seq.s32 s10, $0x1;
	s10 =	sld [smem:$0x3FB6];
	_ =	sdelay $0x3  }
0x34: {  	[smem:$0x3FB6] =	sst s10  }
0x35: {  	s10 =	sld [smem:$0x3FB5];
	_ =	sdelay $0x3  }
0x36: {  	p1 =	seq.s32 s10, $0x1;
	s10 =	sld [smem:$0x3FB6];
	_ =	sdelay $0x3  }
0x37: {  	[smem:$0x3FB6] =	sst s10  }
0x38: {  	s10 =	sld [smem:$0x3FB7]  }
0x39: {  	_ = 	snop;
	(pc) =	sbr.ind lr, $3  }
0x3a: {  	_ = 	snop  }
0x3b: {  	_ = 	snop  }
0x3c: {  	p2 =	seq.s32 s10, $0x1;
	s10 =	sld [smem:$0x3FB6]  }
0x3d: {  	_ =	shalt  }
0x3e: {  	_ =	shalt  }
0x3f: {  	_ =	shalt  }
0x40: {  	_ =	shalt  }
0x41: {  	_ =	shalt  }
0x42: {  	_ =	shalt  }
0x43: {  	_ =	shalt  }
0x44: {  	_ =	shalt  }
0x45: {  	_ =	shalt  }
0x46: {  	_ =	shalt  }
0x47: {  	_ =	shalt  }
0x48: {  	_ =	shalt  }
0x49: {  	_ =	shalt  }
0x4a: {  	_ =	shalt  }
0x4b: {  	_ =	shalt  }
0x4c: {  	_ =	shalt  }
0x4d: {  	_ =	shalt  }
0x4e: {  	_ =	shalt  }
0x4f: {  	_ =	shalt  }
0x50: {  	_ =	shalt  }
0x51: {  	_ =	shalt  }
0x52: {  	_ =	shalt  }
0x53: {  	_ =	shalt  }
0x54: {  	_ =	shalt  }
0x55: {  	_ =	shalt  }
0x56: {  	_ =	shalt  }
0x57: {  	_ =	shalt  }
0x58: {  	_ =	shalt  }
0x59: {  	_ =	shalt  }
0x5a: {  	_ =	shalt  }
0x5b: {  	_ =	shalt  }
0x5c: {  	_ =	shalt  }
0x5d: {  	_ =	shalt  }
0x5e: {  	_ =	shalt  }
0x5f: {  	_ =	shalt  }
0x60: {  	_ =	shalt  }
0x61: {  	_ =	shalt  }
0x62: {  	_ =	shalt  }
0x63: {  	_ =	shalt  }
0x64: {  	_ =	shalt  }
0x65: {  	_ =	shalt  }
0x66: {  	_ =	shalt  }
0x67: {  	_ =	shalt  }
0x68: {  	_ =	shalt  }
0x69: {  	_ =	shalt  }
0x6a: {  	_ =	shalt  }
0x6b: {  	_ =	shalt  }
0x6c: {  	_ =	shalt  }
0x6d: {  	_ =	shalt  }
0x6e: {  	_ =	shalt  }
0x6f: {  	_ =	shalt  }
0x70: {  	_ =	shalt  }
0x71: {  	_ =	shalt  }
0x72: {  	_ =	shalt  }
0x73: {  	_ =	shalt  }
0x74: {  	_ =	shalt  }
0x75: {  	_ =	shalt  }
0x76: {  	_ =	shalt  }
0x77: {  	_ =	shalt  }
0x78: {  	_ =	shalt  }
0x79: {  	_ =	shalt  }
0x7a: {  	_ =	shalt  }
0x7b: {  	_ =	shalt  }
0x7c: {  	_ =	shalt  }
0x7d: {  	_ =	shalt  }
0x7e: {  	_ =	shalt  }
0x7f: {  	_ =	shalt  }
0x80: {  	_ =	shalt  }
0x81: {  	_ =	shalt  }
0x82: {  	_ =	shalt  }
0x83: {  	_ =	shalt  }
0x84: {  	_ =	shalt  }
0x85: {  	_ =	shalt  }
0x86: {  	_ =	shalt  }
0x87: {  	_ =	shalt  }
.Lfunc_end0:
.L_simem_size_0:
called_computation.1_lowered:
.L_overlay_start_0:
0x88: {  	s2 =	sld [smem:$0x3FD9]  }
0x89: {  	s3 =	sld [smem:$0x3FFE];
	_ =	sdelay $0x1  }
0x8a: {  	s1 =	srdreg.scid  }
0x8b: {  	s0 =	sand.u32 $0x1, s1  }
0x8c: {  	s16 =	sshll.u32 s0, $0xA;
	s2 =	sadd.s32 s3, s2  }
0x8d: {  	s2 =	sadd.s32 s2, s16  }
0x8e: {  	[smem:$0x3FC2] =	sst s2  }
0x8f: {  	_ = 	snop  }
0x90: {  	(tm) =	ssettm $0x1  }
0x91: {  	s17 =	sld [smem:$0x3FFB];
	_ =	sdelay $0x3  }
0x92: {  	_ =	strace s17  }
0x93: {  	s2 =	sld [smem:$0x3FFC];
	_ =	sdelay $0x3  }
0x94: {  	_ =	strace s2  }
0x95: {  	s2 =	sld [smem:$0x3FFD];
	_ =	sdelay $0x3  }
0x96: {  	_ =	strace s2  }
0x97: {  	_ =	strace $0x8FFFFFFF  }
0x98: {  	s18 =	sld [smem:$0x3FDB];
	_ =	sdelay $0x1  }
0x99: {  	s19 =	simm.s32 $_scs_section_size  }
0x9a: {  	s4 =	simm.s32 $_size__tile_overlayer_lowered;
	s5 =	simm.s32 $_tile_overlayer_lowered  }
0x9b: {  	s22 =	simm.s32 $0x1BFF;
	s21 =	sshll.u32 s5, $0x1;
	s2 =	sadd.s32 s19, s18  }
0x9c: {  	s6 =	simm.s32 $0x0;
	s20 =	sshll.u32 s4, $0x1;
	s4 =	sadd.s32 s21, s2  }
0x9d: {  	[timem:s6], [sflag:s22] =	dma.local [hbm:s4], s20  }
0x9e: {  	_ =	swait.ge [sflag:s22], s20  }
0x9f: {  	s3 =	ssub.s32 $0x0, s20;
	[sflag:s22] =	ssyncset.done $0x0  }
0xa0: {  	[sflag:s22] =	ssyncadd.s32 s3;
	_ =	sdelay $0x1  }
0xa1: {  	s23 =	simm.s32 $0x1B8B  }
0xa2: {  	_ =	swait.ge [sflag:s23], $0x1  }
0xa3: {  	[sflag:s23] =	ssyncset.done $0x0  }
0xa4: {  	s25 =	simm.s32 $0x1B8E;
	s24 =	sld [smem:$0x3FFE];
	[sflag:s23] =	ssyncadd.s32 $0xFFFFFFFF  }
0xa5: {  	s26 =	simm.s32 $execute0_lowered;
	[smem:$0x3FD2] =	sst s25  }
0xa6: {  	s4 =	sshll.u32 s26, $0x1;
	_ =	strace $0x80000049;
	[dreg:$0x1] =	wrdreg $0xFFFFFFFF  }
0xa7: {  	s28 =	simm.s32 $_size_execute0_lowered;
	s2 =	sadd.s32 s2, s4;
	[dreg:$0x0] =	wrdreg $0x0  }
0xa8: {  	s4 =	sshll.u32 s28, $0x1;
	[dreg:$0x2] =	wrdreg s2  }
0xa9: {  	[dreg:$0x3] =	wrdreg s4  }
0xaa: {  	[dreg:$0x4] =	wrdreg $0xC0  }
0xab: {  	_ =	task [dreg:s6], $0x5FFFF  }
0xac: {  	[dreg:$0x1] =	wrdreg $0xFFFFFFFF  }
0xad: {  	[dreg:$0x0] =	wrdreg $0x60  }
0xae: {  	[dreg:$0x2] =	wrdreg s24  }
0xaf: {  	[dreg:$0x3] =	wrdreg $0x70000  }
0xb0: {  	[dreg:$0x4] =	wrdreg $0x9  }
0xb1: {  	_ =	task.clear_ibuf [dreg:s6], $0x5FFFF;
	_ =	strace $0x90000049  }
0xb2: {  	s29 =	simm.s32 $0x9;
	_ =	strace $0x8000004B  }
0xb3: {  	_ =	swait.ge [sflag:s29], $0x1  }
0xb4: {  	[sflag:s29] =	ssyncadd.s32 $0xFFFFFFFF  }
0xb5: {  	_ =	strace $0x9000004B  }
0xb6: {  	_ =	sfence  }
0xb7: {  	s30 =	sld [smem:$0x0];
	_ =	sdelay $0x2  }
0xb8: {  	s31 =	sshll.u32 s1, $0xD;
	s1 =	sshrl.u32 s1, $0x2  }
0xb9: {  	s3 =	sand.u32 $0x4000, s31;
	s1 =	sadd.s32 s1, s30  }
0xba: {  	s0 =	sor.u32 s3, s0;
	s1 =	sshll.u32 s1, $0x11  }
0xbb: {  	s0 =	sor.u32 s1, s0  }
0xbc: {  	s0 =	sadd.s32 $0x8F2B, s0  }
0xbd: {  	[sflag:s0] =	ssyncadd.remote.s32 $0x1  }
0xbe: {  	_ =	sfence.sel $0xFFFF  }
0xbf: {  	[dreg:$0x0] =	wrdreg $0xFFFFFFFF;
	(pc) =	sbr.abs _section_cstart, $3  }
0xc0: {  	[dreg:$0x1] =	wrdreg $0xFFFFFFFF  }
0xc1: {  	_ =	task.clear_ibuf [dreg:s6], $0x2FFFF;
	_ =	strace $0x9FFFFFFF  }
0xc2: {  	(tm) =	ssettm $0x7FFFFFFF  }
0xc3: {  	_ =	shalt  }
tec
execute0_lowered:
.L_overlay_start_1:
0x0: {  	(tag) =	ssettag $0x1  }
0x1: {  	s7 =	rddreg [dreg:$0x0]  }
0x2: {  	s2 =	rddreg [dreg:$0x1]  }
0x3: {  	s0 =	rddreg [dreg:$0x2];
	s3 =	simm.s32 $0x0;
	s1 =	stileid.u32  }
0x4: {  	s4 =	srdreg.scid;
	s15 =	simm.s32 $0x50;
	s16 =	simm.s32 $0x2000  }
0x5: {  	s17 =	simm.s32 $0x1;
	s18 =	simm.s32 $0x4800;
	s19 =	simm.s32 $0x3  }
0x6: {  	s20 =	simm.s32 $0x2;
	s21 =	simm.s32 $0x4;
	s22 =	simm.s32 $0x1C00  }
0x7: {  	[smem:$0x7FF] =	sst s3;
	s8 =	smul.u32 $0x14000, s1;
	s9 =	sand.u32 $0x1, s4  }
0x8: {  	s4 =	sadd.s32 $0x34600, s7;
	s5 =	sadd.s32 $0x20600, s7;
	s6 =	sadd.s32 $0xC600, s7  }
0x9: {  	s12 =	smul.u32 $0x50000, s1;
	s31 =	sshll.u32 s1, $0x6;
	_ =	strace $0x8000004A  }
0xa: {  	s10 =	smul.u32 $0x140000, s9;
	s26 =	ssub.s32 $0x2, s9;
	s29 =	sshll.u32 s9, $0x4  }
0xb: {  	s11 =	sshrl.u32 s8, $0x3;
	s28 =	sshrl.u32 s26, $0x1;
	s9 =	sor.u32 s1, s29  }
0xc: {  	s30 =	sshrl.u32 s12, $0x2;
	s11 =	sadd.s32 s11, s7;
	s8 =	sadd.s32 s8, s10  }
0xd: {  	s14 =	ssub.s32 s26, s28;
	s12 =	sadd.s32 s30, s2;
	s8 =	sshrl.u32 s8, $0x3  }
0xe: {  	s9 =	smul.u32 $0x5000, s9;
	s12 =	sshrl.u32 s12, $0x3;
	s13 =	sadd.s32 s8, s7  }
0xf: {  	s7 =	sadd.s32 $0x5B800, s11;
	s8 =	sor.u32 $0x1C05, s31;
	s11 =	smax.u32 s14, $0x1  }
0x10: {  	s14 =	simm.s32 $0x1000;
	s10 =	sadd.s32 $0x83800, s13;
	s13 =	simm.s32 $0x5  }
.LBB2_1:
0x11: {  	[spmem:s12], [sflag:s8] =	dma.local [hbm:s7], $0x2800  }
0x12: {  	_ =	swait.ge [sflag:s13], $0x2800  }
0x13: {  	[sflag:s13] =	ssyncset.done $0x0  }
0x14: {  	[sflag:s13] =	ssyncadd.s32 $0xFFFFD800  }
0x15: {  	s23 =	simm.s32 $0x0;
	[bflag:$0x0] =	sbarrier.arrive $0xFFFF  }
.LBB2_2:
0x16: {  	s24 =	sshll.u32 s23, $0xC  }
0x17: {  	s24 =	sadd.s32 s9, s24  }
0x18: {  	s24 =	sshrl.u32 s24, $0x3  }
0x19: {  	s26 =	simm.s32 $0x0;
	s25 =	sadd.s32 s5, s24  }
0x1a: {  	[tilespmem:s26], [sflag:$0x5] =	stream.linear.gather [hbm4b:s25+s26], $0xC80, $0x38;
	[tilespmem:$0x1B000] =	vst v63  }
0x1b: {  	_ =	swait.ge [sflag:s13], $0xC80  }
0x1c: {  	[sflag:s13] =	ssyncset.done $0x0  }
0x1d: {  	s24 =	sadd.s32 s6, s24;
	[sflag:s13] =	ssyncadd.s32 $0xFFFFF380  }
0x1e: {  	[tilespmem:s14], [sflag:$0x5] =	stream.linear.gather [hbm4b:s24+s26], $0xC80, $0x38;
	[tilespmem:$0x1B000] =	vst v63  }
0x1f: {  	_ =	swait.ge [sflag:s13], $0xC80  }
0x20: {  	[sflag:s13] =	ssyncset.done $0x0  }
0x21: {  	[sflag:s13] =	ssyncadd.s32 $0xFFFFF380  }
0x22: {  	[tilespmem:s16], [sflag:$0x1] =	stream.indirect.gather [hbm4b:s4+s15], $0x80, s26, s15, $0xb8;
	[tilespmem:$0x1B000] =	vst v63  }
0x23: {  	_ =	swait.ge [sflag:s17], $0x2800  }
0x24: {  	[sflag:s17] =	ssyncset.done $0x0  }
0x25: {  	s28 =	simm.s32 $0x80;
	[sflag:s17] =	ssyncadd.s32 $0xFFFFD800  }
0x26: {  	[tilespmem:s18], [sflag:$0x2] =	stream.indirect.gather [hbm4b:s4+s15], $0x80, s28, s15, $0xb8;
	[tilespmem:$0x1B000] =	vst v63  }
0x27: {  	s29 =	simm.s32 $0x1000  }
0x28: {  	[spmem:s2] =	stream.indirect.scatter.add.f32 [tilespmem:s16], [sflag:$0x3], $0x80, s29, s15, $0xb8;
	[tilespmem:$0x1B000] =	vst v63  }
0x29: {  	_ =	swait.ge [sflag:s19], $0x2800  }
0x2a: {  	[sflag:s19] =	ssyncset.done $0x0  }
0x2b: {  	s30 =	simm.s32 $0x100;
	[sflag:s19] =	ssyncadd.s32 $0xFFFFD800  }
0x2c: {  	[tilespmem:s16], [sflag:$0x1] =	stream.indirect.gather [hbm4b:s4+s15], $0x80, s30, s15, $0xb8;
	[tilespmem:$0x1B000] =	vst v63  }
0x2d: {  	_ =	swait.ge [sflag:s20], $0x2800  }
0x2e: {  	[sflag:s20] =	ssyncset.done $0x0  }
0x2f: {  	s31 =	simm.s32 $0x1080;
	[sflag:s20] =	ssyncadd.s32 $0xFFFFD800  }
0x30: {  	[spmem:s2] =	stream.indirect.scatter.add.f32 [tilespmem:s18], [sflag:$0x4], $0x80, s31, s15, $0xb8;
	[tilespmem:$0x1B000] =	vst v63  }
0x31: {  	_ =	swait.ge [sflag:s21], $0x2800  }
0x32: {  	s24 =	simm.s32 $0x400;
	[sflag:s21] =	ssyncset.done $0x0  }
.LBB2_3:
0x33: {  	p0 =	sne.s32 s24, $0x2C00  }
0x34: {  	[sflag:s21] =	ssyncadd.s32 $0xFFFFD800;
	s25 =	smov.u32 s24;
	s24 =	sadd.s32 $0x400, s24  }
0x35: {  	_ =	swait.ge [sflag:s17], $0x2800  }
0x36: {  	s25 =	sshra.s32 s25, $0x2;
	[sflag:s17] =	ssyncset.done $0x0  }
0x37: {  	s26 =	sadd.s32 $0x80, s25;
	[sflag:s17] =	ssyncadd.s32 $0xFFFFD800  }
0x38: {  	[tilespmem:s18], [sflag:$0x2] =	stream.indirect.gather [hbm4b:s4+s15], $0x80, s26, s15, $0xb8;
	[tilespmem:$0x1B000] =	vst v63  }
0x39: {  	s26 =	sadd.s32 $0x1000, s25  }
0x3a: {  	[spmem:s2] =	stream.indirect.scatter.add.f32 [tilespmem:s16], [sflag:$0x3], $0x80, s26, s15, $0xb8;
	[tilespmem:$0x1B000] =	vst v63  }
0x3b: {  	_ =	swait.ge [sflag:s19], $0x2800  }
0x3c: {  	[sflag:s19] =	ssyncset.done $0x0  }
0x3d: {  	s26 =	sadd.s32 $0x100, s25;
	[sflag:s19] =	ssyncadd.s32 $0xFFFFD800  }
0x3e: {  	[tilespmem:s16], [sflag:$0x1] =	stream.indirect.gather [hbm4b:s4+s15], $0x80, s26, s15, $0xb8;
	[tilespmem:$0x1B000] =	vst v63  }
0x3f: {  	_ =	swait.ge [sflag:s20], $0x2800  }
.Ltmp0:
0x40: {  	[sflag:s20] =	ssyncset.done $0x0;
	(pc) =	sbr.rel @p0 .LBB2_3-.Ltmp0, $4  }
0x41: {  	s25 =	sadd.s32 $0x1080, s25;
	[sflag:s20] =	ssyncadd.s32 $0xFFFFD800  }
0x42: {  	[spmem:s2] =	stream.indirect.scatter.add.f32 [tilespmem:s18], [sflag:$0x4], $0x80, s25, s15, $0xb8;
	[tilespmem:$0x1B000] =	vst v63  }
0x43: {  	_ =	swait.ge [sflag:s21], $0x2800  }
0x44: {  	[sflag:s21] =	ssyncset.done $0x0  }
0x45: {  	[sflag:s21] =	ssyncadd.s32 $0xFFFFD800  }
0x46: {  	s23 =	sadd.s32 $0x1, s23;
	_ =	swait.ge [sflag:s17], $0x2800  }
0x47: {  	p0 =	sne.s32 s23, $0x5;
	[sflag:s17] =	ssyncset.done $0x0  }
.Ltmp1:
0x48: {  	[sflag:s17] =	ssyncadd.s32 $0xFFFFD800;
	(pc) =	sbr.rel @p0 .LBB2_2-.Ltmp1, $4  }
0x49: {  	[spmem:s2] =	stream.indirect.scatter.add.f32 [tilespmem:s16], [sflag:$0x3], $0x80, s22, s15, $0xb8;
	[tilespmem:$0x1B000] =	vst v63  }
0x4a: {  	_ =	swait.ge [sflag:s19], $0x2800  }
0x4b: {  	[sflag:s19] =	ssyncset.done $0x0  }
0x4c: {  	[sflag:s19] =	ssyncadd.s32 $0xFFFFD800  }
0x4d: {  	s3 =	sadd.s32 $0x1, s3  }
0x4e: {  	p0 =	sne.s32 s3, s11  }
.Ltmp2:
0x4f: {  	[bflag:$0x0] =	sbarrier.arrive $0xFFFF;
	(pc) =	sbr.rel @p0 .LBB2_1-.Ltmp2, $4  }
0x50: {  	[hbm:s10], [sflag:s8] =	dma.local [spmem:s12], $0x2800  }
0x51: {  	_ =	swait.ge [sflag:s13], $0x2800  }
0x52: {  	[sflag:s13] =	ssyncset.done $0x0  }
0x53: {  	[sflag:s13] =	ssyncadd.s32 $0xFFFFD800  }
0x54: {  	_ =	sfence.sel $0x180000  }
0x55: {  	[bflag:$0x0] =	sbarrier.arrive $0xFFFF  }
0x56: {  	p0 =	sne.s32 s1, $0x0;
	_ =	strace $0x9000004A  }
0x57: {  	s0 =	sadd.s32 @!p0 $0x100000, s0;
	[bflag:$0x2] =	sbarrier.arrive $0xFFFF  }
0x58: {  	[sflag:s0] =	ssyncadd.tile.s32 @!p0 $0x1;
	_ =	shalt  }
.Lfunc_end2:
_tile_overlayer_lowered:
.L_overlay_start_2:
0x59: {  	(tag) =	ssettag $0x2  }
0x5a: {  	s0 =	rddreg [dreg:$0x0];
	s2 =	stileid.u32  }
0x5b: {  	s1 =	rddreg [dreg:$0x1];
	p0 =	sne.s32 s2, $0x0  }
0x5c: {  	s3 =	rddreg [dreg:$0x2];
	[bflag:$0x3] =	sbarrier.arrive $0xFFFF;
	s2 =	simm.s32 @!p0 $0x1C05  }
0x5d: {  	[timem:s3], [sflag:s2] =	dma.local @!p0 [hbm:s0], s1  }
0x5e: {  	s0 =	simm.s32 @!p0 $0x5  }
0x5f: {  	_ =	swait.ge @!p0 [sflag:s0], s1  }
0x60: {  	s1 =	ssub.s32 @!p0 $0x0, s1;
	[sflag:s0] =	ssyncset.done @!p0 $0x0  }
0x61: {  	[sflag:s0] =	ssyncadd.s32 @!p0 s1  }
0x62: {  	[bflag:$0x3] =	sbarrier.arrive $0xFFFF  }
0x63: {  	_ =	shalt  }

// kernel: kernel.14.cloned.1.call-start
scs
__scs_entry_jumppad:
0x0: {  	(pc) =	sbr.rel $0x88, $3  }
0x1: {  	(tag) =	ssettag $0x0;
	lr =	simm.s32 $0x1  }
0x2: {  	[smem:$0x3F9B] =	sst lr;
	_ =	strace $0xD0000000  }
0x3: {  	_ = 	snop  }
0x4: {  	_ = 	snop  }
0x5: {  	_ = 	snop  }
0x6: {  	_ = 	snop  }
0x7: {  	_ = 	snop  }
__scs_overlays_trampoline_lowered:
0x8: {  	[smem:$0x3FAA] =	sst s0  }
0x9: {  	[smem:$0x3FAB] =	sst s1  }
0xa: {  	[smem:$0x3FAC] =	sst s2  }
0xb: {  	[smem:$0x3FAD] =	sst s3  }
0xc: {  	[smem:$0x3FAE] =	sst s4  }
0xd: {  	[smem:$0x3FAF] =	sst s5  }
0xe: {  	[smem:$0x3FB0] =	sst s6  }
0xf: {  	[smem:$0x3FB1] =	sst s7  }
0x10: {  	[smem:$0x3FB2] =	sst s8  }
0x11: {  	[smem:$0x3FB3] =	sst s9;
	s0 =	simm.s32 @!p0 $0x0  }
0x12: {  	s1 =	sld [smem:$0x3F99];
	s0 =	simm.s32 @p0 $0x1  }
0x13: {  	[smem:$0x3FB4] =	sst s0;
	s0 =	simm.s32 @!p1 $0x0  }
0x14: {  	s2 =	sld [smem:$0x3F98];
	s0 =	simm.s32 @p1 $0x1  }
0x15: {  	[smem:$0x3FB5] =	sst s0;
	s0 =	simm.s32 @!p2 $0x0  }
0x16: {  	s3 =	sld [smem:$0x3FDB];
	s0 =	simm.s32 @p2 $0x1  }
0x17: {  	s4 =	simm.s32 $0x1BF5;
	[smem:$0x3FB7] =	sst s0  }
0x18: {  	s0 =	sld [smem:$0x3F9A];
	_ =	swait.ge [sflag:s4], $0x0  }
0x19: {  	s7 =	sld [smem:$0x3F9B]  }
0x1a: {  	s8 =	sadd.s32 $0xFFFFE003, lr  }
0x1b: {  	s9 =	sadd.s32 $0xFFFFFEF7, lr;
	s5 =	simm.s32 $0xFFFFFFFF;
	p2 =	slt.u32 s8, $0xFFFFF086  }
0x1c: {  	p1 =	slt.u32 s9, $0xF7A;
	s5 =	simm.s32 @!p2 $0x0  }
0x1d: {  	s5 =	simm.s32 @p1 $0x1;
	p0 =	seq.s32 s7, s2  }
0x1e: {  	s7 =	smul.u32 @!p0 $0xF7A, s2;
	p2 =	seq.s32 @!p0 s5, $0x0  }
0x1f: {  	s9 =	smul.u32 $0xF7A, s1;
	s8 =	simm.s32 @!p0 $0x1BF5;
	p2 =	por !p2, p0  }
0x20: {  	[sflag:s8] =	ssyncset.s32 @!p0 $0xFFFFF086;
	s6 =	sadd.s32 @!p0 s3, s7;
	s7 =	simm.s32 @!p0 $0x108  }
0x21: {  	s3 =	sadd.s32 s3, s9;
	s6 =	sadd.s32 @!p0 $0x88, s6;
	s7 =	simm.s32 @p2 $0x1082  }
0x22: {  	[simem:s7], [sflag:s8] =	dma.local @!p0 [hbm:s6], $0xF7A  }
0x23: {  	s9 =	sor.u32 $0xD0000000, s2;
	s6 =	simm.s32 $0x108;
	_ =	swait.ge @!p0 [sflag:s8], $0x0  }
0x24: {  	s3 =	sadd.s32 $0x88, s3;
	s6 =	simm.s32 @!p1 $0x1082;
	[sflag:s4] =	ssyncset.s32 $0xFFFFF086  }
0x25: {  	[simem:s6], [sflag:s4] =	dma.local [hbm:s3], $0xF7A  }
0x26: {  	[smem:$0x3F9B] =	sst s1;
	(tag) =	ssettag s2;
	_ =	strace s9  }
0x27: {  	s1 =	sld [smem:$0x3FAB]  }
0x28: {  	s2 =	sld [smem:$0x3FAC]  }
0x29: {  	s4 =	sld [smem:$0x3FAE]  }
0x2a: {  	p0 =	seq.s32 s5, $0x0;
	s5 =	sld [smem:$0x3FAF]  }
0x2b: {  	s6 =	sld [smem:$0x3FB0]  }
0x2c: {  	s7 =	sld [smem:$0x3FB1]  }
0x2d: {  	s3 =	simm.s32 $0x108;
	s8 =	sld [smem:$0x3FB2]  }
0x2e: {  	s3 =	simm.s32 @!p0 $0x1082;
	s9 =	sld [smem:$0x3FB3]  }
0x2f: {  	lr =	sadd.s32 s0, s3;
	s0 =	sld [smem:$0x3FAA]  }
0x30: {  	s3 =	sld [smem:$0x3FAD]  }
0x31: {  	[smem:$0x3FB6] =	sst s10  }
0x32: {  	s10 =	sld [smem:$0x3FB4];
	_ =	sdelay $0x3  }
0x33: {  	p0 =	seq.s32 s10, $0x1;
	s10 =	sld [smem:$0x3FB6];
	_ =	sdelay $0x3  }
0x34: {  	[smem:$0x3FB6] =	sst s10  }
0x35: {  	s10 =	sld [smem:$0x3FB5];
	_ =	sdelay $0x3  }
0x36: {  	p1 =	seq.s32 s10, $0x1;
	s10 =	sld [smem:$0x3FB6];
	_ =	sdelay $0x3  }
0x37: {  	[smem:$0x3FB6] =	sst s10  }
0x38: {  	s10 =	sld [smem:$0x3FB7]  }
0x39: {  	_ = 	snop;
	(pc) =	sbr.ind lr, $3  }
0x3a: {  	_ = 	snop  }
0x3b: {  	_ = 	snop  }
0x3c: {  	p2 =	seq.s32 s10, $0x1;
	s10 =	sld [smem:$0x3FB6]  }
0x3d: {  	_ =	shalt  }
0x3e: {  	_ =	shalt  }
0x3f: {  	_ =	shalt  }
0x40: {  	_ =	shalt  }
0x41: {  	_ =	shalt  }
0x42: {  	_ =	shalt  }
0x43: {  	_ =	shalt  }
0x44: {  	_ =	shalt  }
0x45: {  	_ =	shalt  }
0x46: {  	_ =	shalt  }
0x47: {  	_ =	shalt  }
0x48: {  	_ =	shalt  }
0x49: {  	_ =	shalt  }
0x4a: {  	_ =	shalt  }
0x4b: {  	_ =	shalt  }
0x4c: {  	_ =	shalt  }
0x4d: {  	_ =	shalt  }
0x4e: {  	_ =	shalt  }
0x4f: {  	_ =	shalt  }
0x50: {  	_ =	shalt  }
0x51: {  	_ =	shalt  }
0x52: {  	_ =	shalt  }
0x53: {  	_ =	shalt  }
0x54: {  	_ =	shalt  }
0x55: {  	_ =	shalt  }
0x56: {  	_ =	shalt  }
0x57: {  	_ =	shalt  }
0x58: {  	_ =	shalt  }
0x59: {  	_ =	shalt  }
0x5a: {  	_ =	shalt  }
0x5b: {  	_ =	shalt  }
0x5c: {  	_ =	shalt  }
0x5d: {  	_ =	shalt  }
0x5e: {  	_ =	shalt  }
0x5f: {  	_ =	shalt  }
0x60: {  	_ =	shalt  }
0x61: {  	_ =	shalt  }
0x62: {  	_ =	shalt  }
0x63: {  	_ =	shalt  }
0x64: {  	_ =	shalt  }
0x65: {  	_ =	shalt  }
0x66: {  	_ =	shalt  }
0x67: {  	_ =	shalt  }
0x68: {  	_ =	shalt  }
0x69: {  	_ =	shalt  }
0x6a: {  	_ =	shalt  }
0x6b: {  	_ =	shalt  }
0x6c: {  	_ =	shalt  }
0x6d: {  	_ =	shalt  }
0x6e: {  	_ =	shalt  }
0x6f: {  	_ =	shalt  }
0x70: {  	_ =	shalt  }
0x71: {  	_ =	shalt  }
0x72: {  	_ =	shalt  }
0x73: {  	_ =	shalt  }
0x74: {  	_ =	shalt  }
0x75: {  	_ =	shalt  }
0x76: {  	_ =	shalt  }
0x77: {  	_ =	shalt  }
0x78: {  	_ =	shalt  }
0x79: {  	_ =	shalt  }
0x7a: {  	_ =	shalt  }
0x7b: {  	_ =	shalt  }
0x7c: {  	_ =	shalt  }
0x7d: {  	_ =	shalt  }
0x7e: {  	_ =	shalt  }
0x7f: {  	_ =	shalt  }
0x80: {  	_ =	shalt  }
0x81: {  	_ =	shalt  }
0x82: {  	_ =	shalt  }
0x83: {  	_ =	shalt  }
0x84: {  	_ =	shalt  }
0x85: {  	_ =	shalt  }
0x86: {  	_ =	shalt  }
0x87: {  	_ =	shalt  }
.Lfunc_end0:
.L_simem_size_0:
called_computation.2_lowered:
.L_overlay_start_0:
0x88: {  	s2 =	sld [smem:$0x3FD9]  }
0x89: {  	s3 =	sld [smem:$0x3FFE];
	_ =	sdelay $0x1  }
0x8a: {  	s1 =	srdreg.scid  }
0x8b: {  	s0 =	sand.u32 $0x1, s1  }
0x8c: {  	s16 =	sshll.u32 s0, $0xA;
	s2 =	sadd.s32 s3, s2  }
0x8d: {  	s2 =	sadd.s32 s2, s16  }
0x8e: {  	[smem:$0x3FC2] =	sst s2  }
0x8f: {  	_ = 	snop  }
0x90: {  	(tm) =	ssettm $0x1  }
0x91: {  	s17 =	sld [smem:$0x3FFB];
	_ =	sdelay $0x3  }
0x92: {  	_ =	strace s17  }
0x93: {  	s2 =	sld [smem:$0x3FFC];
	_ =	sdelay $0x3  }
0x94: {  	_ =	strace s2  }
0x95: {  	s2 =	sld [smem:$0x3FFD];
	_ =	sdelay $0x3  }
0x96: {  	_ =	strace s2  }
0x97: {  	_ =	strace $0x8FFFFFFF  }
0x98: {  	s18 =	sld [smem:$0x3FDB];
	_ =	sdelay $0x1  }
0x99: {  	s19 =	simm.s32 $_scs_section_size  }
0x9a: {  	s4 =	simm.s32 $_size__tile_overlayer_lowered;
	s5 =	simm.s32 $_tile_overlayer_lowered  }
0x9b: {  	s22 =	simm.s32 $0x1BFF;
	s21 =	sshll.u32 s5, $0x1;
	s2 =	sadd.s32 s19, s18  }
0x9c: {  	s6 =	simm.s32 $0x0;
	s20 =	sshll.u32 s4, $0x1;
	s4 =	sadd.s32 s21, s2  }
0x9d: {  	[timem:s6], [sflag:s22] =	dma.local [hbm:s4], s20  }
0x9e: {  	_ =	swait.ge [sflag:s22], s20  }
0x9f: {  	s3 =	ssub.s32 $0x0, s20;
	[sflag:s22] =	ssyncset.done $0x0  }
0xa0: {  	[sflag:s22] =	ssyncadd.s32 s3;
	_ =	sdelay $0x1  }
0xa1: {  	s23 =	simm.s32 $0x1B8B  }
0xa2: {  	_ =	swait.ge [sflag:s23], $0x1  }
0xa3: {  	[sflag:s23] =	ssyncset.done $0x0  }
0xa4: {  	s25 =	simm.s32 $0x1B8E;
	s24 =	sld [smem:$0x3FFE];
	[sflag:s23] =	ssyncadd.s32 $0xFFFFFFFF  }
0xa5: {  	s26 =	simm.s32 $execute0_lowered;
	[smem:$0x3FD2] =	sst s25  }
0xa6: {  	s4 =	sshll.u32 s26, $0x1;
	_ =	strace $0x8000004C;
	[dreg:$0x1] =	wrdreg $0xFFFFFFFF  }
0xa7: {  	s28 =	simm.s32 $_size_execute0_lowered;
	s2 =	sadd.s32 s2, s4;
	[dreg:$0x0] =	wrdreg $0x0  }
0xa8: {  	s4 =	sshll.u32 s28, $0x1;
	[dreg:$0x2] =	wrdreg s2  }
0xa9: {  	[dreg:$0x3] =	wrdreg s4  }
0xaa: {  	[dreg:$0x4] =	wrdreg $0xC0  }
0xab: {  	_ =	task [dreg:s6], $0x5FFFF  }
0xac: {  	[dreg:$0x1] =	wrdreg $0xFFFFFFFF  }
0xad: {  	[dreg:$0x0] =	wrdreg $0x60  }
0xae: {  	[dreg:$0x2] =	wrdreg s24  }
0xaf: {  	[dreg:$0x3] =	wrdreg $0x70000  }
0xb0: {  	[dreg:$0x4] =	wrdreg $0x9  }
0xb1: {  	_ =	task.clear_ibuf [dreg:s6], $0x5FFFF;
	_ =	strace $0x9000004C  }
0xb2: {  	s29 =	simm.s32 $0x9;
	_ =	strace $0x8000004E  }
0xb3: {  	_ =	swait.ge [sflag:s29], $0x1  }
0xb4: {  	[sflag:s29] =	ssyncadd.s32 $0xFFFFFFFF  }
0xb5: {  	_ =	strace $0x9000004E  }
0xb6: {  	_ =	sfence  }
0xb7: {  	s30 =	sld [smem:$0x0];
	_ =	sdelay $0x2  }
0xb8: {  	s31 =	sshll.u32 s1, $0xD;
	s1 =	sshrl.u32 s1, $0x2  }
0xb9: {  	s3 =	sand.u32 $0x4000, s31;
	s1 =	sadd.s32 s1, s30  }
0xba: {  	s0 =	sor.u32 s3, s0;
	s1 =	sshll.u32 s1, $0x11  }
0xbb: {  	s0 =	sor.u32 s1, s0  }
0xbc: {  	s0 =	sadd.s32 $0x8F2B, s0  }
0xbd: {  	[sflag:s0] =	ssyncadd.remote.s32 $0x1  }
0xbe: {  	_ =	sfence.sel $0xFFFF  }
0xbf: {  	[dreg:$0x0] =	wrdreg $0xFFFFFFFF;
	(pc) =	sbr.abs _section_cstart, $3  }
0xc0: {  	[dreg:$0x1] =	wrdreg $0xFFFFFFFF  }
0xc1: {  	_ =	task.clear_ibuf [dreg:s6], $0x2FFFF;
	_ =	strace $0x9FFFFFFF  }
0xc2: {  	(tm) =	ssettm $0x7FFFFFFF  }
0xc3: {  	_ =	shalt  }
tec
execute0_lowered:
.L_overlay_start_1:
0x0: {  	(tag) =	ssettag $0x1  }
0x1: {  	s7 =	rddreg [dreg:$0x0]  }
0x2: {  	s2 =	rddreg [dreg:$0x1]  }
0x3: {  	s0 =	rddreg [dreg:$0x2];
	s3 =	simm.s32 $0x0;
	s1 =	stileid.u32  }
0x4: {  	s4 =	srdreg.scid;
	s15 =	simm.s32 $0x50;
	s16 =	simm.s32 $0x2000  }
0x5: {  	s17 =	simm.s32 $0x1;
	s18 =	simm.s32 $0x4800;
	s19 =	simm.s32 $0x3  }
0x6: {  	s20 =	simm.s32 $0x2;
	s21 =	simm.s32 $0x4;
	s22 =	simm.s32 $0x1C00  }
0x7: {  	[smem:$0x7FF] =	sst s3;
	s8 =	smul.u32 $0x14000, s1;
	s9 =	sand.u32 $0x1, s4  }
0x8: {  	s4 =	sadd.s32 $0x34600, s7;
	s5 =	sadd.s32 $0x20600, s7;
	s6 =	sadd.s32 $0xC600, s7  }
0x9: {  	s12 =	smul.u32 $0x50000, s1;
	s31 =	sshll.u32 s1, $0x6;
	_ =	strace $0x8000004D  }
0xa: {  	s10 =	smul.u32 $0x140000, s9;
	s26 =	ssub.s32 $0x2, s9;
	s29 =	sshll.u32 s9, $0x4  }
0xb: {  	s11 =	sshrl.u32 s8, $0x3;
	s28 =	sshrl.u32 s26, $0x1;
	s9 =	sor.u32 s1, s29  }
0xc: {  	s30 =	sshrl.u32 s12, $0x2;
	s11 =	sadd.s32 s11, s7;
	s8 =	sadd.s32 s8, s10  }
0xd: {  	s14 =	ssub.s32 s26, s28;
	s12 =	sadd.s32 s30, s2;
	s8 =	sshrl.u32 s8, $0x3  }
0xe: {  	s9 =	smul.u32 $0x5000, s9;
	s12 =	sshrl.u32 s12, $0x3;
	s13 =	sadd.s32 s8, s7  }
0xf: {  	s7 =	sadd.s32 $0x5B800, s11;
	s8 =	sor.u32 $0x1C05, s31;
	s11 =	smax.u32 s14, $0x1  }
0x10: {  	s14 =	simm.s32 $0x1000;
	s10 =	sadd.s32 $0x83800, s13;
	s13 =	simm.s32 $0x5  }
.LBB2_1:
0x11: {  	[spmem:s12], [sflag:s8] =	dma.local [hbm:s7], $0x2800  }
0x12: {  	_ =	swait.ge [sflag:s13], $0x2800  }
0x13: {  	[sflag:s13] =	ssyncset.done $0x0  }
0x14: {  	[sflag:s13] =	ssyncadd.s32 $0xFFFFD800  }
0x15: {  	s23 =	simm.s32 $0x0;
	[bflag:$0x0] =	sbarrier.arrive $0xFFFF  }
.LBB2_2:
0x16: {  	s24 =	sshll.u32 s23, $0xC  }
0x17: {  	s24 =	sadd.s32 s9, s24  }
0x18: {  	s24 =	sshrl.u32 s24, $0x3  }
0x19: {  	s26 =	simm.s32 $0x0;
	s25 =	sadd.s32 s5, s24  }
0x1a: {  	[tilespmem:s26], [sflag:$0x5] =	stream.linear.gather [hbm4b:s25+s26], $0xC80, $0x38;
	[tilespmem:$0x1B000] =	vst v63  }
0x1b: {  	_ =	swait.ge [sflag:s13], $0xC80  }
0x1c: {  	[sflag:s13] =	ssyncset.done $0x0  }
0x1d: {  	s24 =	sadd.s32 s6, s24;
	[sflag:s13] =	ssyncadd.s32 $0xFFFFF380  }
0x1e: {  	[tilespmem:s14], [sflag:$0x5] =	stream.linear.gather [hbm4b:s24+s26], $0xC80, $0x38;
	[tilespmem:$0x1B000] =	vst v63  }
0x1f: {  	_ =	swait.ge [sflag:s13], $0xC80  }
0x20: {  	[sflag:s13] =	ssyncset.done $0x0  }
0x21: {  	[sflag:s13] =	ssyncadd.s32 $0xFFFFF380  }
0x22: {  	[tilespmem:s16], [sflag:$0x1] =	stream.indirect.gather [hbm4b:s4+s15], $0x80, s26, s15, $0xb8;
	[tilespmem:$0x1B000] =	vst v63  }
0x23: {  	_ =	swait.ge [sflag:s17], $0x2800  }
0x24: {  	[sflag:s17] =	ssyncset.done $0x0  }
0x25: {  	s28 =	simm.s32 $0x80;
	[sflag:s17] =	ssyncadd.s32 $0xFFFFD800  }
0x26: {  	[tilespmem:s18], [sflag:$0x2] =	stream.indirect.gather [hbm4b:s4+s15], $0x80, s28, s15, $0xb8;
	[tilespmem:$0x1B000] =	vst v63  }
0x27: {  	s29 =	simm.s32 $0x1000  }
0x28: {  	[spmem:s2] =	stream.indirect.scatter.add.f32 [tilespmem:s16], [sflag:$0x3], $0x80, s29, s15, $0xb8;
	[tilespmem:$0x1B000] =	vst v63  }
0x29: {  	_ =	swait.ge [sflag:s19], $0x2800  }
0x2a: {  	[sflag:s19] =	ssyncset.done $0x0  }
0x2b: {  	s30 =	simm.s32 $0x100;
	[sflag:s19] =	ssyncadd.s32 $0xFFFFD800  }
0x2c: {  	[tilespmem:s16], [sflag:$0x1] =	stream.indirect.gather [hbm4b:s4+s15], $0x80, s30, s15, $0xb8;
	[tilespmem:$0x1B000] =	vst v63  }
0x2d: {  	_ =	swait.ge [sflag:s20], $0x2800  }
0x2e: {  	[sflag:s20] =	ssyncset.done $0x0  }
0x2f: {  	s31 =	simm.s32 $0x1080;
	[sflag:s20] =	ssyncadd.s32 $0xFFFFD800  }
0x30: {  	[spmem:s2] =	stream.indirect.scatter.add.f32 [tilespmem:s18], [sflag:$0x4], $0x80, s31, s15, $0xb8;
	[tilespmem:$0x1B000] =	vst v63  }
0x31: {  	_ =	swait.ge [sflag:s21], $0x2800  }
0x32: {  	s24 =	simm.s32 $0x400;
	[sflag:s21] =	ssyncset.done $0x0  }
.LBB2_3:
0x33: {  	p0 =	sne.s32 s24, $0x2C00  }
0x34: {  	[sflag:s21] =	ssyncadd.s32 $0xFFFFD800;
	s25 =	smov.u32 s24;
	s24 =	sadd.s32 $0x400, s24  }
0x35: {  	_ =	swait.ge [sflag:s17], $0x2800  }
0x36: {  	s25 =	sshra.s32 s25, $0x2;
	[sflag:s17] =	ssyncset.done $0x0  }
0x37: {  	s26 =	sadd.s32 $0x80, s25;
	[sflag:s17] =	ssyncadd.s32 $0xFFFFD800  }
0x38: {  	[tilespmem:s18], [sflag:$0x2] =	stream.indirect.gather [hbm4b:s4+s15], $0x80, s26, s15, $0xb8;
	[tilespmem:$0x1B000] =	vst v63  }
0x39: {  	s26 =	sadd.s32 $0x1000, s25  }
0x3a: {  	[spmem:s2] =	stream.indirect.scatter.add.f32 [tilespmem:s16], [sflag:$0x3], $0x80, s26, s15, $0xb8;
	[tilespmem:$0x1B000] =	vst v63  }
0x3b: {  	_ =	swait.ge [sflag:s19], $0x2800  }
0x3c: {  	[sflag:s19] =	ssyncset.done $0x0  }
0x3d: {  	s26 =	sadd.s32 $0x100, s25;
	[sflag:s19] =	ssyncadd.s32 $0xFFFFD800  }
0x3e: {  	[tilespmem:s16], [sflag:$0x1] =	stream.indirect.gather [hbm4b:s4+s15], $0x80, s26, s15, $0xb8;
	[tilespmem:$0x1B000] =	vst v63  }
0x3f: {  	_ =	swait.ge [sflag:s20], $0x2800  }
.Ltmp0:
0x40: {  	[sflag:s20] =	ssyncset.done $0x0;
	(pc) =	sbr.rel @p0 .LBB2_3-.Ltmp0, $4  }
0x41: {  	s25 =	sadd.s32 $0x1080, s25;
	[sflag:s20] =	ssyncadd.s32 $0xFFFFD800  }
0x42: {  	[spmem:s2] =	stream.indirect.scatter.add.f32 [tilespmem:s18], [sflag:$0x4], $0x80, s25, s15, $0xb8;
	[tilespmem:$0x1B000] =	vst v63  }
0x43: {  	_ =	swait.ge [sflag:s21], $0x2800  }
0x44: {  	[sflag:s21] =	ssyncset.done $0x0  }
0x45: {  	[sflag:s21] =	ssyncadd.s32 $0xFFFFD800  }
0x46: {  	s23 =	sadd.s32 $0x1, s23;
	_ =	swait.ge [sflag:s17], $0x2800  }
0x47: {  	p0 =	sne.s32 s23, $0x5;
	[sflag:s17] =	ssyncset.done $0x0  }
.Ltmp1:
0x48: {  	[sflag:s17] =	ssyncadd.s32 $0xFFFFD800;
	(pc) =	sbr.rel @p0 .LBB2_2-.Ltmp1, $4  }
0x49: {  	[spmem:s2] =	stream.indirect.scatter.add.f32 [tilespmem:s16], [sflag:$0x3], $0x80, s22, s15, $0xb8;
	[tilespmem:$0x1B000] =	vst v63  }
0x4a: {  	_ =	swait.ge [sflag:s19], $0x2800  }
0x4b: {  	[sflag:s19] =	ssyncset.done $0x0  }
0x4c: {  	[sflag:s19] =	ssyncadd.s32 $0xFFFFD800  }
0x4d: {  	s3 =	sadd.s32 $0x1, s3  }
0x4e: {  	p0 =	sne.s32 s3, s11  }
.Ltmp2:
0x4f: {  	[bflag:$0x0] =	sbarrier.arrive $0xFFFF;
	(pc) =	sbr.rel @p0 .LBB2_1-.Ltmp2, $4  }
0x50: {  	[hbm:s10], [sflag:s8] =	dma.local [spmem:s12], $0x2800  }
0x51: {  	_ =	swait.ge [sflag:s13], $0x2800  }
0x52: {  	[sflag:s13] =	ssyncset.done $0x0  }
0x53: {  	[sflag:s13] =	ssyncadd.s32 $0xFFFFD800  }
0x54: {  	_ =	sfence.sel $0x180000  }
0x55: {  	[bflag:$0x0] =	sbarrier.arrive $0xFFFF  }
0x56: {  	p0 =	sne.s32 s1, $0x0;
	_ =	strace $0x9000004D  }
0x57: {  	s0 =	sadd.s32 @!p0 $0x100000, s0;
	[bflag:$0x2] =	sbarrier.arrive $0xFFFF  }
0x58: {  	[sflag:s0] =	ssyncadd.tile.s32 @!p0 $0x1;
	_ =	shalt  }
.Lfunc_end2:
_tile_overlayer_lowered:
.L_overlay_start_2:
0x59: {  	(tag) =	ssettag $0x2  }
0x5a: {  	s0 =	rddreg [dreg:$0x0];
	s2 =	stileid.u32  }
0x5b: {  	s1 =	rddreg [dreg:$0x1];
	p0 =	sne.s32 s2, $0x0  }
0x5c: {  	s3 =	rddreg [dreg:$0x2];
	[bflag:$0x3] =	sbarrier.arrive $0xFFFF;
	s2 =	simm.s32 @!p0 $0x1C05  }
0x5d: {  	[timem:s3], [sflag:s2] =	dma.local @!p0 [hbm:s0], s1  }
0x5e: {  	s0 =	simm.s32 @!p0 $0x5  }
0x5f: {  	_ =	swait.ge @!p0 [sflag:s0], s1  }
0x60: {  	s1 =	ssub.s32 @!p0 $0x0, s1;
	[sflag:s0] =	ssyncset.done @!p0 $0x0  }
0x61: {  	[sflag:s0] =	ssyncadd.s32 @!p0 s1  }
0x62: {  	[bflag:$0x3] =	sbarrier.arrive $0xFFFF  }
0x63: {  	_ =	shalt  }

// kernel: kernel.8.cloned.1.call-start
scs
__scs_entry_jumppad:
0x0: {  	(pc) =	sbr.rel $0x88, $3  }
0x1: {  	(tag) =	ssettag $0x0;
	lr =	simm.s32 $0x1  }
0x2: {  	[smem:$0x3F9B] =	sst lr;
	_ =	strace $0xD0000000  }
0x3: {  	_ = 	snop  }
0x4: {  	_ = 	snop  }
0x5: {  	_ = 	snop  }
0x6: {  	_ = 	snop  }
0x7: {  	_ = 	snop  }
__scs_overlays_trampoline_lowered:
0x8: {  	[smem:$0x3FAA] =	sst s0  }
0x9: {  	[smem:$0x3FAB] =	sst s1  }
0xa: {  	[smem:$0x3FAC] =	sst s2  }
0xb: {  	[smem:$0x3FAD] =	sst s3  }
0xc: {  	[smem:$0x3FAE] =	sst s4  }
0xd: {  	[smem:$0x3FAF] =	sst s5  }
0xe: {  	[smem:$0x3FB0] =	sst s6  }
0xf: {  	[smem:$0x3FB1] =	sst s7  }
0x10: {  	[smem:$0x3FB2] =	sst s8  }
0x11: {  	[smem:$0x3FB3] =	sst s9;
	s0 =	simm.s32 @!p0 $0x0  }
0x12: {  	s1 =	sld [smem:$0x3F99];
	s0 =	simm.s32 @p0 $0x1  }
0x13: {  	[smem:$0x3FB4] =	sst s0;
	s0 =	simm.s32 @!p1 $0x0  }
0x14: {  	s2 =	sld [smem:$0x3F98];
	s0 =	simm.s32 @p1 $0x1  }
0x15: {  	[smem:$0x3FB5] =	sst s0;
	s0 =	simm.s32 @!p2 $0x0  }
0x16: {  	s3 =	sld [smem:$0x3FDB];
	s0 =	simm.s32 @p2 $0x1  }
0x17: {  	s4 =	simm.s32 $0x1BF5;
	[smem:$0x3FB7] =	sst s0  }
0x18: {  	s0 =	sld [smem:$0x3F9A];
	_ =	swait.ge [sflag:s4], $0x0  }
0x19: {  	s7 =	sld [smem:$0x3F9B]  }
0x1a: {  	s8 =	sadd.s32 $0xFFFFE003, lr  }
0x1b: {  	s9 =	sadd.s32 $0xFFFFFEF7, lr;
	s5 =	simm.s32 $0xFFFFFFFF;
	p2 =	slt.u32 s8, $0xFFFFF086  }
0x1c: {  	p1 =	slt.u32 s9, $0xF7A;
	s5 =	simm.s32 @!p2 $0x0  }
0x1d: {  	s5 =	simm.s32 @p1 $0x1;
	p0 =	seq.s32 s7, s2  }
0x1e: {  	s7 =	smul.u32 @!p0 $0xF7A, s2;
	p2 =	seq.s32 @!p0 s5, $0x0  }
0x1f: {  	s9 =	smul.u32 $0xF7A, s1;
	s8 =	simm.s32 @!p0 $0x1BF5;
	p2 =	por !p2, p0  }
0x20: {  	[sflag:s8] =	ssyncset.s32 @!p0 $0xFFFFF086;
	s6 =	sadd.s32 @!p0 s3, s7;
	s7 =	simm.s32 @!p0 $0x108  }
0x21: {  	s3 =	sadd.s32 s3, s9;
	s6 =	sadd.s32 @!p0 $0x88, s6;
	s7 =	simm.s32 @p2 $0x1082  }
0x22: {  	[simem:s7], [sflag:s8] =	dma.local @!p0 [hbm:s6], $0xF7A  }
0x23: {  	s9 =	sor.u32 $0xD0000000, s2;
	s6 =	simm.s32 $0x108;
	_ =	swait.ge @!p0 [sflag:s8], $0x0  }
0x24: {  	s3 =	sadd.s32 $0x88, s3;
	s6 =	simm.s32 @!p1 $0x1082;
	[sflag:s4] =	ssyncset.s32 $0xFFFFF086  }
0x25: {  	[simem:s6], [sflag:s4] =	dma.local [hbm:s3], $0xF7A  }
0x26: {  	[smem:$0x3F9B] =	sst s1;
	(tag) =	ssettag s2;
	_ =	strace s9  }
0x27: {  	s1 =	sld [smem:$0x3FAB]  }
0x28: {  	s2 =	sld [smem:$0x3FAC]  }
0x29: {  	s4 =	sld [smem:$0x3FAE]  }
0x2a: {  	p0 =	seq.s32 s5, $0x0;
	s5 =	sld [smem:$0x3FAF]  }
0x2b: {  	s6 =	sld [smem:$0x3FB0]  }
0x2c: {  	s7 =	sld [smem:$0x3FB1]  }
0x2d: {  	s3 =	simm.s32 $0x108;
	s8 =	sld [smem:$0x3FB2]  }
0x2e: {  	s3 =	simm.s32 @!p0 $0x1082;
	s9 =	sld [smem:$0x3FB3]  }
0x2f: {  	lr =	sadd.s32 s0, s3;
	s0 =	sld [smem:$0x3FAA]  }
0x30: {  	s3 =	sld [smem:$0x3FAD]  }
0x31: {  	[smem:$0x3FB6] =	sst s10  }
0x32: {  	s10 =	sld [smem:$0x3FB4];
	_ =	sdelay $0x3  }
0x33: {  	p0 =	seq.s32 s10, $0x1;
	s10 =	sld [smem:$0x3FB6];
	_ =	sdelay $0x3  }
0x34: {  	[smem:$0x3FB6] =	sst s10  }
0x35: {  	s10 =	sld [smem:$0x3FB5];
	_ =	sdelay $0x3  }
0x36: {  	p1 =	seq.s32 s10, $0x1;
	s10 =	sld [smem:$0x3FB6];
	_ =	sdelay $0x3  }
0x37: {  	[smem:$0x3FB6] =	sst s10  }
0x38: {  	s10 =	sld [smem:$0x3FB7]  }
0x39: {  	_ = 	snop;
	(pc) =	sbr.ind lr, $3  }
0x3a: {  	_ = 	snop  }
0x3b: {  	_ = 	snop  }
0x3c: {  	p2 =	seq.s32 s10, $0x1;
	s10 =	sld [smem:$0x3FB6]  }
0x3d: {  	_ =	shalt  }
0x3e: {  	_ =	shalt  }
0x3f: {  	_ =	shalt  }
0x40: {  	_ =	shalt  }
0x41: {  	_ =	shalt  }
0x42: {  	_ =	shalt  }
0x43: {  	_ =	shalt  }
0x44: {  	_ =	shalt  }
0x45: {  	_ =	shalt  }
0x46: {  	_ =	shalt  }
0x47: {  	_ =	shalt  }
0x48: {  	_ =	shalt  }
0x49: {  	_ =	shalt  }
0x4a: {  	_ =	shalt  }
0x4b: {  	_ =	shalt  }
0x4c: {  	_ =	shalt  }
0x4d: {  	_ =	shalt  }
0x4e: {  	_ =	shalt  }
0x4f: {  	_ =	shalt  }
0x50: {  	_ =	shalt  }
0x51: {  	_ =	shalt  }
0x52: {  	_ =	shalt  }
0x53: {  	_ =	shalt  }
0x54: {  	_ =	shalt  }
0x55: {  	_ =	shalt  }
0x56: {  	_ =	shalt  }
0x57: {  	_ =	shalt  }
0x58: {  	_ =	shalt  }
0x59: {  	_ =	shalt  }
0x5a: {  	_ =	shalt  }
0x5b: {  	_ =	shalt  }
0x5c: {  	_ =	shalt  }
0x5d: {  	_ =	shalt  }
0x5e: {  	_ =	shalt  }
0x5f: {  	_ =	shalt  }
0x60: {  	_ =	shalt  }
0x61: {  	_ =	shalt  }
0x62: {  	_ =	shalt  }
0x63: {  	_ =	shalt  }
0x64: {  	_ =	shalt  }
0x65: {  	_ =	shalt  }
0x66: {  	_ =	shalt  }
0x67: {  	_ =	shalt  }
0x68: {  	_ =	shalt  }
0x69: {  	_ =	shalt  }
0x6a: {  	_ =	shalt  }
0x6b: {  	_ =	shalt  }
0x6c: {  	_ =	shalt  }
0x6d: {  	_ =	shalt  }
0x6e: {  	_ =	shalt  }
0x6f: {  	_ =	shalt  }
0x70: {  	_ =	shalt  }
0x71: {  	_ =	shalt  }
0x72: {  	_ =	shalt  }
0x73: {  	_ =	shalt  }
0x74: {  	_ =	shalt  }
0x75: {  	_ =	shalt  }
0x76: {  	_ =	shalt  }
0x77: {  	_ =	shalt  }
0x78: {  	_ =	shalt  }
0x79: {  	_ =	shalt  }
0x7a: {  	_ =	shalt  }
0x7b: {  	_ =	shalt  }
0x7c: {  	_ =	shalt  }
0x7d: {  	_ =	shalt  }
0x7e: {  	_ =	shalt  }
0x7f: {  	_ =	shalt  }
0x80: {  	_ =	shalt  }
0x81: {  	_ =	shalt  }
0x82: {  	_ =	shalt  }
0x83: {  	_ =	shalt  }
0x84: {  	_ =	shalt  }
0x85: {  	_ =	shalt  }
0x86: {  	_ =	shalt  }
0x87: {  	_ =	shalt  }
.Lfunc_end0:
.L_simem_size_0:
called_computation_lowered:
.L_overlay_start_0:
0x88: {  	s2 =	sld [smem:$0x3FD9]  }
0x89: {  	s3 =	sld [smem:$0x3FFE];
	_ =	sdelay $0x1  }
0x8a: {  	s1 =	srdreg.scid  }
0x8b: {  	s0 =	sand.u32 $0x1, s1  }
0x8c: {  	s17 =	sshll.u32 s0, $0xA;
	s2 =	sadd.s32 s3, s2  }
0x8d: {  	s2 =	sadd.s32 s2, s17  }
0x8e: {  	[smem:$0x3FC2] =	sst s2  }
0x8f: {  	_ = 	snop  }
0x90: {  	s2 =	sld [smem:$0x3FD0];
	(tm) =	ssettm $0x1  }
0x91: {  	s18 =	sld [smem:$0x3FFB];
	_ =	sdelay $0x3  }
0x92: {  	_ =	strace s18  }
0x93: {  	s3 =	sld [smem:$0x3FFC];
	_ =	sdelay $0x3  }
0x94: {  	_ =	strace s3  }
0x95: {  	s3 =	sld [smem:$0x3FFD];
	_ =	sdelay $0x3  }
0x96: {  	_ =	strace s3  }
0x97: {  	_ =	strace $0x8FFFFFFF  }
0x98: {  	s19 =	sld [smem:$0x3FDB];
	_ =	sdelay $0x1  }
0x99: {  	s4 =	simm.s32 $_scs_section_size  }
0x9a: {  	s5 =	simm.s32 $_size__tile_overlayer_lowered;
	s6 =	simm.s32 $_tile_overlayer_lowered  }
0x9b: {  	s22 =	simm.s32 $0x1BFF;
	s21 =	sshll.u32 s6, $0x1;
	s3 =	sadd.s32 s4, s19  }
0x9c: {  	s7 =	simm.s32 $0x0;
	s20 =	sshll.u32 s5, $0x1;
	s5 =	sadd.s32 s21, s3  }
0x9d: {  	[timem:s7], [sflag:s22] =	dma.local [hbm:s5], s20  }
0x9e: {  	_ =	swait.ge [sflag:s22], s20  }
0x9f: {  	s4 =	ssub.s32 $0x0, s20;
	[sflag:s22] =	ssyncset.done $0x0  }
0xa0: {  	[sflag:s22] =	ssyncadd.s32 s4;
	_ =	sdelay $0x1  }
0xa1: {  	s23 =	simm.s32 $0x1B8B  }
0xa2: {  	_ =	swait.ge [sflag:s23], $0x1  }
0xa3: {  	[sflag:s23] =	ssyncset.done $0x0  }
0xa4: {  	s25 =	simm.s32 $0x1B8E;
	s24 =	sld [smem:$0x3FFE];
	[sflag:s23] =	ssyncadd.s32 $0xFFFFFFFF  }
0xa5: {  	s26 =	simm.s32 $execute0_lowered;
	[smem:$0x3FD2] =	sst s25  }
0xa6: {  	s5 =	sshll.u32 s26, $0x1;
	_ =	strace $0x80000046;
	[dreg:$0x1] =	wrdreg $0xFFFFFFFF  }
0xa7: {  	s28 =	simm.s32 $_size_execute0_lowered;
	s3 =	sadd.s32 s3, s5;
	[dreg:$0x0] =	wrdreg $0x0  }
0xa8: {  	s5 =	sshll.u32 s28, $0x1;
	[dreg:$0x2] =	wrdreg s3  }
0xa9: {  	[dreg:$0x3] =	wrdreg s5  }
0xaa: {  	[dreg:$0x4] =	wrdreg $0xC0  }
0xab: {  	_ =	task [dreg:s7], $0x5FFFF  }
0xac: {  	[dreg:$0x1] =	wrdreg $0xFFFFFFFF  }
0xad: {  	[dreg:$0x0] =	wrdreg $0x60  }
0xae: {  	[dreg:$0x2] =	wrdreg s24  }
0xaf: {  	[dreg:$0x3] =	wrdreg s2  }
0xb0: {  	[dreg:$0x4] =	wrdreg $0x9  }
0xb1: {  	_ =	task.clear_ibuf [dreg:s7], $0x5FFFF;
	_ =	strace $0x90000046  }
0xb2: {  	s29 =	simm.s32 $0x9;
	_ =	strace $0x80000048  }
0xb3: {  	_ =	swait.ge [sflag:s29], $0x1  }
0xb4: {  	[sflag:s29] =	ssyncadd.s32 $0xFFFFFFFF  }
0xb5: {  	_ =	strace $0x90000048  }
0xb6: {  	_ =	sfence  }
0xb7: {  	s30 =	sld [smem:$0x0];
	_ =	sdelay $0x2  }
0xb8: {  	s31 =	sshll.u32 s1, $0xD;
	s1 =	sshrl.u32 s1, $0x2  }
0xb9: {  	s3 =	sand.u32 $0x4000, s31;
	s1 =	sadd.s32 s1, s30  }
0xba: {  	s0 =	sor.u32 s3, s0;
	s1 =	sshll.u32 s1, $0x11  }
0xbb: {  	s0 =	sor.u32 s1, s0  }
0xbc: {  	s0 =	sadd.s32 $0x8F2B, s0  }
0xbd: {  	[sflag:s0] =	ssyncadd.remote.s32 $0x1  }
0xbe: {  	_ =	sfence.sel $0xFFFF  }
0xbf: {  	[dreg:$0x0] =	wrdreg $0xFFFFFFFF;
	(pc) =	sbr.abs _section_cstart, $3  }
0xc0: {  	[dreg:$0x1] =	wrdreg $0xFFFFFFFF  }
0xc1: {  	_ =	task.clear_ibuf [dreg:s7], $0x2FFFF;
	_ =	strace $0x9FFFFFFF  }
0xc2: {  	(tm) =	ssettm $0x7FFFFFFF  }
0xc3: {  	_ =	shalt  }
tec
execute0_lowered:
.L_overlay_start_1:
0x0: {  	(tag) =	ssettag $0x1  }
0x1: {  	s0 =	srdreg.scid;
	s3 =	rddreg [dreg:$0x0]  }
0x2: {  	s5 =	rddreg [dreg:$0x1];
	s1 =	stileid.u32  }
0x3: {  	s9 =	simm.s32 $0x80;
	s10 =	simm.s32 $0x400;
	s4 =	sand.u32 $0x1, s0  }
0x4: {  	s11 =	simm.s32 $0x0;
	s8 =	sshll.u32 s1, $0x7;
	s2 =	sshll.u32 s4, $0x4  }
0x5: {  	s0 =	rddreg [dreg:$0x2];
	s8 =	sand.u32 $0x380, s8;
	s6 =	sor.u32 s1, s2  }
0x6: {  	s2 =	simm.s32 $0x0;
	s7 =	smul.u32 $0x4E2, s6;
	s6 =	sshrl.u32 s6, $0x3  }
0x7: {  	s4 =	ssub.s32 $0x2, s4;
	[smem:$0x7FF] =	sst s2;
	s6 =	smul.u32 $0x14000, s6  }
0x8: {  	s31 =	sshrl.u32 s4, $0x1;
	_ =	strace $0x80000047;
	s7 =	sadd.s32 s7, s3  }
0x9: {  	s3 =	sadd.s32 $0xC000, s3;
	s6 =	sor.u32 s8, s6;
	s8 =	ssub.s32 s4, s31  }
0xa: {  	s4 =	sadd.s32 $0x2200, s7;
	s7 =	simm.s32 $0x1;
	s6 =	sshrl.u32 s6, $0x3  }
0xb: {  	v0 =	vimm.f32 $1.000000000e+00;
	s5 =	sadd.s32 s5, s6;
	s6 =	smax.u32 s8, $0x1;
	s8 =	simm.s32 $0x2780  }
.LBB2_1:
0xc: {  	[tilespmem:s2], [sflag:$0x1] =	stream.linear.gather [hbm4b:s4+s2], $0x2710, $0x38;
	[tilespmem:$0x4F80] =	vst v63  }
0xd: {  	_ =	swait.ge [sflag:s7], $0x2710  }
0xe: {  	[sflag:s7] =	ssyncset.done $0x0  }
0xf: {  	[sflag:s7] =	ssyncadd.s32 $0xFFFFD8F0  }
0x10: {  	[tilespmem:s8], [sflag:$0x1] =	stream.linear.gather [hbm4b:s3+s2], $0x2800, $0x38;
	[tilespmem:$0x4F80] =	vst v63  }
0x11: {  	_ =	swait.ge [sflag:s7], $0x2800  }
0x12: {  	[sflag:s7] =	ssyncset.done $0x0  }
0x13: {  	s13 =	simm.s32 $0x0;
	s12 =	simm.s32 $0x40;
	[sflag:s7] =	ssyncadd.s32 $0xFFFFD800  }
.LBB2_2:
0x14: {  	p0 =	sne.s32 s12, $0x9C00;
	v1 =	vld [tilespmem:s13+$0x0];
	_ =	sdelay $0x3  }
.Ltmp0:
0x15: {  	(pc) =	sbr.rel @p0 .LBB2_2-.Ltmp0, $2  }
0x16: {  	_ =	sdelay $0x2  }
0x17: {  	s13 =	sshra.s32 s12, $0x2;
	s12 =	sadd.s32 $0x40, s12;
	[tilespmem:v1+s8+$0x0] =	vst.idx.add.f32.msk $0xffff, v0  }
0x18: {  	v1 =	vld [tilespmem:s13+$0x0];
	_ =	sdelay $0x5  }
0x19: {  	s11 =	sadd.s32 $0x1, s11  }
0x1a: {  	p0 =	sne.s32 s11, s6  }
.Ltmp1:
0x1b: {  	[tilespmem:v1+s8+$0x0] =	vst.idx.add.f32.msk $0xffff, v0;
	(pc) =	sbr.rel @p0 .LBB2_1-.Ltmp1, $4  }
0x1c: {  	[hbm4b:s5+s9] =	stream.strided.scatter [tilespmem:s8], [sflag:$0x1], $0x2800, s10, s9, $0x38;
	[tilespmem:$0x4F80] =	vst v63  }
0x1d: {  	_ =	swait.ge [sflag:s7], $0x2800  }
0x1e: {  	[sflag:s7] =	ssyncset.done $0x0  }
0x1f: {  	[sflag:s7] =	ssyncadd.s32 $0xFFFFD800  }
0x20: {  	_ =	sfence.sel $0x180000  }
0x21: {  	[bflag:$0x0] =	sbarrier.arrive $0xFFFF  }
0x22: {  	p0 =	sne.s32 s1, $0x0;
	_ =	strace $0x90000047  }
0x23: {  	s0 =	sadd.s32 @!p0 $0x100000, s0;
	[bflag:$0x2] =	sbarrier.arrive $0xFFFF  }
0x24: {  	[sflag:s0] =	ssyncadd.tile.s32 @!p0 $0x1;
	_ =	shalt  }
.Lfunc_end2:
_tile_overlayer_lowered:
.L_overlay_start_2:
0x25: {  	(tag) =	ssettag $0x2  }
0x26: {  	s0 =	rddreg [dreg:$0x0];
	s2 =	stileid.u32  }
0x27: {  	s1 =	rddreg [dreg:$0x1];
	p0 =	sne.s32 s2, $0x0  }
0x28: {  	s3 =	rddreg [dreg:$0x2];
	[bflag:$0x3] =	sbarrier.arrive $0xFFFF;
	s2 =	simm.s32 @!p0 $0x1C01  }
0x29: {  	[timem:s3], [sflag:s2] =	dma.local @!p0 [hbm:s0], s1  }
0x2a: {  	s0 =	simm.s32 @!p0 $0x1  }
0x2b: {  	_ =	swait.ge @!p0 [sflag:s0], s1  }
0x2c: {  	s1 =	ssub.s32 @!p0 $0x0, s1;
	[sflag:s0] =	ssyncset.done @!p0 $0x0  }
0x2d: {  	[sflag:s0] =	ssyncadd.s32 @!p0 s1  }
0x2e: {  	[bflag:$0x3] =	sbarrier.arrive $0xFFFF  }
0x2f: {  	_ =	shalt  }

</sc_bundles>
